<compile_context>
chip_gen: v7x
topology: tpu7x:2x2x1
jax: 0.10.2.dev20260603
libtpu: 0.0.44.dev20260713+nightly
codegen_flags: <defaults>
</compile_context>

<pallas_src>
import functools

import jax
import jax.numpy as jnp
from jax import lax
from jax.experimental import pallas as pl
from jax.experimental.pallas import tpu as pltpu
from jax.experimental.pallas import tpu_sc as plsc

_NEG = -1e9
_ROW_BLK = 2048


def _argmax_body(k_ref, fcolt_ref, out_ref, kn_ref):
    i = pl.program_id(0)

    @pl.when(i == 0)
    def _():
        k = k_ref[...]
        norms = jnp.sqrt(jnp.sum(k * k, axis=0, keepdims=True)) + 1e-8
        kn_ref[...] = k / norms

    kn = kn_ref[...]
    q = k_ref[:, pl.ds(i * _ROW_BLK, _ROW_BLK)]
    simt = jax.lax.dot_general(
        kn, q, (((0,), (0,)), ((), ())),
        preferred_element_type=jnp.float32)
    fcolt = fcolt_ref[...]
    simt = jnp.where(fcolt >= 1, _NEG, simt)
    idx = jnp.argmax(simt, axis=0)
    out_ref[0] = idx.astype(jnp.int32)[None, :]


def _compute_idx(latter2d, fcolt):
    c2, n = latter2d.shape
    nblk = n // _ROW_BLK
    grid_spec = pl.GridSpec(
        grid=(nblk,),
        in_specs=[
            pl.BlockSpec((c2, n), lambda i: (0, 0)),
            pl.BlockSpec((n, 1), lambda i: (0, 0)),
        ],
        out_specs=pl.BlockSpec((1, 1, _ROW_BLK), lambda i: (i, 0, 0)),
        scratch_shapes=[pltpu.VMEM((c2, n), jnp.float32)],
    )
    out = pl.pallas_call(
        _argmax_body,
        grid_spec=grid_spec,
        out_shape=jax.ShapeDtypeStruct((nblk, 1, _ROW_BLK), jnp.int32),
    )(latter2d, fcolt)
    return out.reshape(n)


def _sc_shift(input4d, idx, flagf):
    _, c, h, w = input4d.shape
    c2 = c // 2
    n = h * w
    info = plsc.get_sparse_core_info()
    nc, ns = info.num_cores, info.num_subcores
    nw = nc * ns
    f_per_w = c2 // nw
    mesh = plsc.VectorSubcoreMesh(core_axis_name="c", subcore_axis_name="s")

    @functools.partial(
        pl.kernel, mesh=mesh,
        out_type=jax.ShapeDtypeStruct((1, c2, h, w), jnp.float32),
        scratch_types=[
            pltpu.VMEM((n,), jnp.int32),
            pltpu.VMEM((n,), jnp.float32),
            pltpu.VMEM((h, w), jnp.float32),
            pltpu.VMEM((h, w), jnp.float32),
        ],
        compiler_params=pltpu.CompilerParams(needs_layout_passes=False),
    )
    def shift_k(in_hbm, idx_hbm, flag_hbm, out_hbm, idx_v, flag_v, src_v,
                dst_v):
        wid = lax.axis_index("s") * nc + lax.axis_index("c")
        pltpu.sync_copy(idx_hbm, idx_v)
        pltpu.sync_copy(flag_hbm, flag_v)
        for j in range(f_per_w):
            f = wid + nw * j
            pltpu.sync_copy(in_hbm.at[0, f], src_v)

            log2w = w.bit_length() - 1
            chunks_per_row = w // 16

            @plsc.parallel_loop(0, n // 16, unroll=16)
            def _(t):
                vid = idx_v[pl.ds(t * 16, 16)]
                hi = lax.shift_right_logical(vid, log2w)
                lo = lax.bitwise_and(vid, jnp.int32(w - 1))
                g = plsc.load_gather(src_v, [hi, lo])
                fl = flag_v[pl.ds(t * 16, 16)]
                r = lax.shift_right_logical(t, 2)
                cc = lax.bitwise_and(t, chunks_per_row - 1) * 16
                dst_v[r, pl.ds(cc, 16)] = g * fl
            pltpu.sync_copy(dst_v, out_hbm.at[0, f])

    return shift_k(input4d, idx, flagf)


def kernel(input, mask):
    b, c, h, w = input.shape
    c2 = c // 2
    n = h * w
    latter2d = input.reshape(c, n)[c2:]
    flag = mask.reshape(n) >= 1
    fcolt = flag.reshape(n, 1).astype(jnp.int32)
    flagf = flag.astype(jnp.float32)

    idx = _compute_idx(latter2d, fcolt)
    shift_map = _sc_shift(input, idx, flagf)

    out0 = jnp.pad(input, ((0, 0), (0, c2), (0, 0), (0, 0)))
    return lax.dynamic_update_slice(out0, shift_map, (0, c, 0, 0))

# --- scband reference (transcript-rebuilt; emitter-appended) ---
"""Pipeline reference for scband-accelerated-inner-shift-triple-74311524156021 (READ-ONLY COPY).

The authoritative reference and input builder live on the scoring server;
editing this copy changes nothing except your own understanding.
"""

import jax, jax.numpy as jnp
import numpy as np


def setup_inputs(seed: int = 0) -> dict:
    key = jax.random.key(seed)
    k1, k2 = jax.random.split(key)
    x = jax.random.normal(k1, (1, 128, 64, 64), dtype=jnp.float32)
    mask = jax.random.randint(k2, (64, 64), 0, 2, dtype=jnp.int32)
    return {"input": x, "mask": mask}


def reference(input, mask):
    # AcceleratedInnerShiftTriple with shift_sz=1, stride=1, mask_thred=1,
    # triple_weight=1. Patches are 1x1 pixels so the shift operation is a
    # per-pixel nearest-neighbor retrieval: for every masked location, find
    # the unmasked latter-feature vector with max normalized cross-correlation
    # and copy the corresponding FORMER feature vector into the shift channel.
    B, C, H, W = input.shape
    c2 = C // 2
    N = H * W
    former = input[:, :c2]            # [B, c2, H, W]
    latter = input[:, c2:]            # [B, c2, H, W]
    # flag: 1 where the (1x1) patch contains >= mask_thred masked pixels
    flag = (mask.reshape(-1) >= 1)    # [N] bool, True = masked (hole)
    # flag / retrieval is computed from batch item 0 (latter.narrow(0,0,1))
    latter0 = latter[0].reshape(c2, N).T          # [N, c2] all patches
    norms = jnp.sqrt(jnp.sum(latter0 * latter0, axis=1, keepdims=True)) + 1e-8
    keys_norm = latter0 / norms                    # L2-normalized key patches
    # cross-correlation of every query patch against every (normalized) key
    sim = latter0 @ keys_norm.T                    # [N, N]
    # only unmasked locations are valid shift sources
    sim = jnp.where(flag[None, :], jnp.float32(-1e9), sim)
    idx = jnp.argmax(sim, axis=1)                  # [N] nearest unmasked patch
    former0 = former[0].reshape(c2, N).T           # [N, c2]
    shift = jnp.take(former0, idx, axis=0)         # gather matched former feats
    # shift content only lives in the masked region; elsewhere zero
    shift = jnp.where(flag[:, None], shift, jnp.float32(0.0))
    shift_map = shift.T.reshape(1, c2, H, W)
    shift_map = jnp.broadcast_to(shift_map, (B, c2, H, W))
    out = jnp.concatenate([former, latter, shift_map], axis=1)  # [B, 3*c2, H, W]
    return out

if __name__ == "__main__":
    import jax
    _d = setup_inputs()
    print(jax.jit(kernel)(*tuple(_d.values())))

</pallas_src>

<mosaic_0001>
#map = affine_map<(d0, d1) -> (0, 0, 0, 0)>
#map1 = affine_map<(d0, d1) -> (0)>
module attributes {stable_mosaic.version = 14 : i64} {
  func.func @shift_k(%arg0: i32, %arg1: i32, %arg2: memref<1x128x64x64xf32, #tpu.memory_space<hbm>>, %arg3: memref<4096xi32, #tpu.memory_space<hbm>>, %arg4: memref<4096xf32, #tpu.memory_space<hbm>>, %arg5: memref<1x64x64x64xf32, #tpu.memory_space<hbm>>, %arg6: memref<4096xi32, #tpu.memory_space<vmem>>, %arg7: memref<4096xf32, #tpu.memory_space<vmem>>, %arg8: memref<64x64xf32, #tpu.memory_space<vmem>>, %arg9: memref<64x64xf32, #tpu.memory_space<vmem>>) attributes {dimension_semantics = [#tpu.dimension_semantics<core_parallel>, #tpu.dimension_semantics<subcore_parallel>], iteration_bounds = array<i64: 2, 16>, scalar_prefetch = 0 : i64, scratch_operands = 4 : i64, tpu.core_type = #tpu.core_type<sc_vector_subcore>, window_params = [{transform_indices = #map}, {transform_indices = #map1}, {transform_indices = #map1}, {transform_indices = #map}]} {
    %mul3A = arith.constant 2 : i32
    %mul3A_0 = arith.muli %arg1, %mul3A : i32
    %add3A = arith.addi %mul3A_0, %arg0 : i32
    "tpu.region"() ({
      %run_scoped3A_13 = tpu.sem_alloc : memref<!tpu.dma_semaphore, #tpu.memory_space<semaphore_mem>>
      tpu.enqueue_dma source(%arg3 : memref<4096xi32, #tpu.memory_space<hbm>>) target(%arg6 : memref<4096xi32, #tpu.memory_space<vmem>>) target_semaphore(%run_scoped3A_13 : memref<!tpu.dma_semaphore, #tpu.memory_space<semaphore_mem>>)
      tpu.wait_dma2 semaphore(%run_scoped3A_13 : memref<!tpu.dma_semaphore, #tpu.memory_space<semaphore_mem>>) src(%arg3 : memref<4096xi32, #tpu.memory_space<hbm>>) dst(%arg6 : memref<4096xi32, #tpu.memory_space<vmem>>)
      tpu.yield
    }) : () -> ()
    "tpu.region"() ({
      %run_scoped3A_13 = tpu.sem_alloc : memref<!tpu.dma_semaphore, #tpu.memory_space<semaphore_mem>>
      tpu.enqueue_dma source(%arg4 : memref<4096xf32, #tpu.memory_space<hbm>>) target(%arg7 : memref<4096xf32, #tpu.memory_space<vmem>>) target_semaphore(%run_scoped3A_13 : memref<!tpu.dma_semaphore, #tpu.memory_space<semaphore_mem>>)
      tpu.wait_dma2 semaphore(%run_scoped3A_13 : memref<!tpu.dma_semaphore, #tpu.memory_space<semaphore_mem>>) src(%arg4 : memref<4096xf32, #tpu.memory_space<hbm>>) dst(%arg7 : memref<4096xf32, #tpu.memory_space<vmem>>)
      tpu.yield
    }) : () -> ()
    %add3A_1 = arith.constant 0 : i32
    %add3A_2 = arith.addi %add3A, %add3A_1 : i32
    %run_scoped3A = arith.constant 0 : i32
    "tpu.region"() ({
      %run_scoped3A_13 = tpu.sem_alloc : memref<!tpu.dma_semaphore, #tpu.memory_space<semaphore_mem>>
      %dma_start3A = arith.constant 0 : i32
      %dma_start3A_14 = arith.constant 0 : i32
      %dma_start3A_15 = tpu.memref_slice %arg2[%run_scoped3A, %add3A_2, %dma_start3A, %dma_start3A_14] : memref<1x128x64x64xf32, #tpu.memory_space<hbm>> -> memref<1x1x64x64xf32, #tpu.memory_space<hbm>>
      %dma_start3A_16 = tpu.memref_squeeze %dma_start3A_15 : memref<1x1x64x64xf32, #tpu.memory_space<hbm>> -> memref<64x64xf32, #tpu.memory_space<hbm>>
      %dma_start3A_17 = arith.constant 0 : i32
      %dma_start3A_18 = arith.constant 0 : i32
      %dma_start3A_19 = tpu.memref_slice %arg2[%run_scoped3A, %add3A_2, %dma_start3A_17, %dma_start3A_18] : memref<1x128x64x64xf32, #tpu.memory_space<hbm>> -> memref<1x1x64x64xf32, #tpu.memory_space<hbm>>
      %dma_start3A_20 = tpu.memref_squeeze %dma_start3A_19 : memref<1x1x64x64xf32, #tpu.memory_space<hbm>> -> memref<64x64xf32, #tpu.memory_space<hbm>>
      tpu.enqueue_dma source(%dma_start3A_20 : memref<64x64xf32, #tpu.memory_space<hbm>>) target(%arg8 : memref<64x64xf32, #tpu.memory_space<vmem>>) target_semaphore(%run_scoped3A_13 : memref<!tpu.dma_semaphore, #tpu.memory_space<semaphore_mem>>)
      %dma_wait3A = arith.constant 0 : i32
      %dma_wait3A_21 = arith.constant 0 : i32
      %dma_wait3A_22 = tpu.memref_slice %arg2[%run_scoped3A, %add3A_2, %dma_wait3A, %dma_wait3A_21] : memref<1x128x64x64xf32, #tpu.memory_space<hbm>> -> memref<1x1x64x64xf32, #tpu.memory_space<hbm>>
      %dma_wait3A_23 = tpu.memref_squeeze %dma_wait3A_22 : memref<1x1x64x64xf32, #tpu.memory_space<hbm>> -> memref<64x64xf32, #tpu.memory_space<hbm>>
      %dma_wait3A_24 = arith.constant 0 : i32
      %dma_wait3A_25 = arith.constant 0 : i32
      %dma_wait3A_26 = tpu.memref_slice %arg2[%run_scoped3A, %add3A_2, %dma_wait3A_24, %dma_wait3A_25] : memref<1x128x64x64xf32, #tpu.memory_space<hbm>> -> memref<1x1x64x64xf32, #tpu.memory_space<hbm>>
      %dma_wait3A_27 = tpu.memref_squeeze %dma_wait3A_26 : memref<1x1x64x64xf32, #tpu.memory_space<hbm>> -> memref<64x64xf32, #tpu.memory_space<hbm>>
      tpu.wait_dma2 semaphore(%run_scoped3A_13 : memref<!tpu.dma_semaphore, #tpu.memory_space<semaphore_mem>>) src(%dma_wait3A_27 : memref<64x64xf32, #tpu.memory_space<hbm>>) dst(%arg8 : memref<64x64xf32, #tpu.memory_space<vmem>>)
      tpu.yield
    }) : () -> ()
    %parallel_loop3A = arith.constant 0 : i32
    %parallel_loop3A_3 = arith.constant 256 : i32
    %parallel_loop3A_4 = arith.constant 1 : i32
    scf.for %parallel_loop3A_13 = %parallel_loop3A to %parallel_loop3A_3 step %parallel_loop3A_4  : i32 {
      %parallel_loop3A_14 = arith.constant 16 : i32
      %parallel_loop3A_15 = arith.muli %parallel_loop3A_13, %parallel_loop3A_14 : i32
      %parallel_loop3A_16 = arith.index_cast %parallel_loop3A_15 : i32 to index
      %parallel_loop3A_17 = tpu.vector_load %arg6[%parallel_loop3A_16] {strides = array<i32>} : memref<4096xi32, #tpu.memory_space<vmem>>, vector<16xi32>,
      %parallel_loop3A_18 = arith.constant 6 : i32
      %parallel_loop3A_19 = vector.broadcast %parallel_loop3A_18 : i32 to vector<16xi32>
      %parallel_loop3A_20 = arith.shrui %parallel_loop3A_17, %parallel_loop3A_19 : vector<16xi32>
      %parallel_loop3A_21 = arith.constant 63 : i32
      %parallel_loop3A_22 = vector.broadcast %parallel_loop3A_21 : i32 to vector<16xi32>
      %parallel_loop3A_23 = arith.andi %parallel_loop3A_17, %parallel_loop3A_22 : vector<16xi32>
      %parallel_loop3A_24 = tpu.vector_load_idx %arg8[%parallel_loop3A_20, %parallel_loop3A_23] : memref<64x64xf32, #tpu.memory_space<vmem>>[vector<16xi32>, vector<16xi32>], vector<16xf32>,
      %parallel_loop3A_25 = arith.constant 16 : i32
      %parallel_loop3A_26 = arith.muli %parallel_loop3A_13, %parallel_loop3A_25 : i32
      %parallel_loop3A_27 = arith.index_cast %parallel_loop3A_26 : i32 to index
      %parallel_loop3A_28 = tpu.vector_load %arg7[%parallel_loop3A_27] {strides = array<i32>} : memref<4096xf32, #tpu.memory_space<vmem>>, vector<16xf32>,
      %parallel_loop3A_29 = arith.constant 2 : i32
      %parallel_loop3A_30 = arith.shrui %parallel_loop3A_13, %parallel_loop3A_29 : i32
      %parallel_loop3A_31 = arith.constant 3 : i32
      %parallel_loop3A_32 = arith.andi %parallel_loop3A_13, %parallel_loop3A_31 : i32
      %parallel_loop3A_33 = arith.constant 16 : i32
      %parallel_loop3A_34 = arith.muli %parallel_loop3A_32, %parallel_loop3A_33 : i32
      %parallel_loop3A_35 = arith.mulf %parallel_loop3A_24, %parallel_loop3A_28 : vector<16xf32>
      %parallel_loop3A_36 = arith.index_cast %parallel_loop3A_30 : i32 to index
      %parallel_loop3A_37 = arith.index_cast %parallel_loop3A_34 : i32 to index
      %parallel_loop3A_38 = tpu.vector_load %arg9[%parallel_loop3A_36, %parallel_loop3A_37] {strides = array<i32>} : memref<64x64xf32, #tpu.memory_space<vmem>>, vector<16xf32>,
      tpu.vector_store %arg9[%parallel_loop3A_36, %parallel_loop3A_37], %parallel_loop3A_35 {strides = array<i32>} : memref<64x64xf32, #tpu.memory_space<vmem>>, vector<16xf32>,
    } {sc.loop_unroll_factor = 16 : i64, sc.parallel_access}
    %run_scoped3A_5 = arith.constant 0 : i32
    "tpu.region"() ({
      %run_scoped3A_13 = tpu.sem_alloc : memref<!tpu.dma_semaphore, #tpu.memory_space<semaphore_mem>>
      %dma_start3A = arith.constant 0 : i32
      %dma_start3A_14 = arith.constant 0 : i32
      %dma_start3A_15 = tpu.memref_slice %arg5[%run_scoped3A_5, %add3A_2, %dma_start3A, %dma_start3A_14] : memref<1x64x64x64xf32, #tpu.memory_space<hbm>> -> memref<1x1x64x64xf32, #tpu.memory_space<hbm>>
      %dma_start3A_16 = tpu.memref_squeeze %dma_start3A_15 : memref<1x1x64x64xf32, #tpu.memory_space<hbm>> -> memref<64x64xf32, #tpu.memory_space<hbm>>
      %dma_start3A_17 = arith.constant 0 : i32
      %dma_start3A_18 = arith.constant 0 : i32
      %dma_start3A_19 = tpu.memref_slice %arg5[%run_scoped3A_5, %add3A_2, %dma_start3A_17, %dma_start3A_18] : memref<1x64x64x64xf32, #tpu.memory_space<hbm>> -> memref<1x1x64x64xf32, #tpu.memory_space<hbm>>
      %dma_start3A_20 = tpu.memref_squeeze %dma_start3A_19 : memref<1x1x64x64xf32, #tpu.memory_space<hbm>> -> memref<64x64xf32, #tpu.memory_space<hbm>>
      tpu.enqueue_dma source(%arg9 : memref<64x64xf32, #tpu.memory_space<vmem>>) target(%dma_start3A_20 : memref<64x64xf32, #tpu.memory_space<hbm>>) target_semaphore(%run_scoped3A_13 : memref<!tpu.dma_semaphore, #tpu.memory_space<semaphore_mem>>)
      %dma_wait3A = arith.constant 0 : i32
      %dma_wait3A_21 = arith.constant 0 : i32
      %dma_wait3A_22 = tpu.memref_slice %arg5[%run_scoped3A_5, %add3A_2, %dma_wait3A, %dma_wait3A_21] : memref<1x64x64x64xf32, #tpu.memory_space<hbm>> -> memref<1x1x64x64xf32, #tpu.memory_space<hbm>>
      %dma_wait3A_23 = tpu.memref_squeeze %dma_wait3A_22 : memref<1x1x64x64xf32, #tpu.memory_space<hbm>> -> memref<64x64xf32, #tpu.memory_space<hbm>>
      %dma_wait3A_24 = arith.constant 0 : i32
      %dma_wait3A_25 = arith.constant 0 : i32
      %dma_wait3A_26 = tpu.memref_slice %arg5[%run_scoped3A_5, %add3A_2, %dma_wait3A_24, %dma_wait3A_25] : memref<1x64x64x64xf32, #tpu.memory_space<hbm>> -> memref<1x1x64x64xf32, #tpu.memory_space<hbm>>
      %dma_wait3A_27 = tpu.memref_squeeze %dma_wait3A_26 : memref<1x1x64x64xf32, #tpu.memory_space<hbm>> -> memref<64x64xf32, #tpu.memory_space<hbm>>
      tpu.wait_dma2 semaphore(%run_scoped3A_13 : memref<!tpu.dma_semaphore, #tpu.memory_space<semaphore_mem>>) src(%arg9 : memref<64x64xf32, #tpu.memory_space<vmem>>) dst(%dma_wait3A_27 : memref<64x64xf32, #tpu.memory_space<hbm>>)
      tpu.yield
    }) : () -> ()
    %add3A_6 = arith.constant 32 : i32
    %add3A_7 = arith.addi %add3A, %add3A_6 : i32
    %run_scoped3A_8 = arith.constant 0 : i32
    "tpu.region"() ({
      %run_scoped3A_13 = tpu.sem_alloc : memref<!tpu.dma_semaphore, #tpu.memory_space<semaphore_mem>>
      %dma_start3A = arith.constant 0 : i32
      %dma_start3A_14 = arith.constant 0 : i32
      %dma_start3A_15 = tpu.memref_slice %arg2[%run_scoped3A_8, %add3A_7, %dma_start3A, %dma_start3A_14] : memref<1x128x64x64xf32, #tpu.memory_space<hbm>> -> memref<1x1x64x64xf32, #tpu.memory_space<hbm>>
      %dma_start3A_16 = tpu.memref_squeeze %dma_start3A_15 : memref<1x1x64x64xf32, #tpu.memory_space<hbm>> -> memref<64x64xf32, #tpu.memory_space<hbm>>
      %dma_start3A_17 = arith.constant 0 : i32
      %dma_start3A_18 = arith.constant 0 : i32
      %dma_start3A_19 = tpu.memref_slice %arg2[%run_scoped3A_8, %add3A_7, %dma_start3A_17, %dma_start3A_18] : memref<1x128x64x64xf32, #tpu.memory_space<hbm>> -> memref<1x1x64x64xf32, #tpu.memory_space<hbm>>
      %dma_start3A_20 = tpu.memref_squeeze %dma_start3A_19 : memref<1x1x64x64xf32, #tpu.memory_space<hbm>> -> memref<64x64xf32, #tpu.memory_space<hbm>>
      tpu.enqueue_dma source(%dma_start3A_20 : memref<64x64xf32, #tpu.memory_space<hbm>>) target(%arg8 : memref<64x64xf32, #tpu.memory_space<vmem>>) target_semaphore(%run_scoped3A_13 : memref<!tpu.dma_semaphore, #tpu.memory_space<semaphore_mem>>)
      %dma_wait3A = arith.constant 0 : i32
      %dma_wait3A_21 = arith.constant 0 : i32
      %dma_wait3A_22 = tpu.memref_slice %arg2[%run_scoped3A_8, %add3A_7, %dma_wait3A, %dma_wait3A_21] : memref<1x128x64x64xf32, #tpu.memory_space<hbm>> -> memref<1x1x64x64xf32, #tpu.memory_space<hbm>>
      %dma_wait3A_23 = tpu.memref_squeeze %dma_wait3A_22 : memref<1x1x64x64xf32, #tpu.memory_space<hbm>> -> memref<64x64xf32, #tpu.memory_space<hbm>>
      %dma_wait3A_24 = arith.constant 0 : i32
      %dma_wait3A_25 = arith.constant 0 : i32
      %dma_wait3A_26 = tpu.memref_slice %arg2[%run_scoped3A_8, %add3A_7, %dma_wait3A_24, %dma_wait3A_25] : memref<1x128x64x64xf32, #tpu.memory_space<hbm>> -> memref<1x1x64x64xf32, #tpu.memory_space<hbm>>
      %dma_wait3A_27 = tpu.memref_squeeze %dma_wait3A_26 : memref<1x1x64x64xf32, #tpu.memory_space<hbm>> -> memref<64x64xf32, #tpu.memory_space<hbm>>
      tpu.wait_dma2 semaphore(%run_scoped3A_13 : memref<!tpu.dma_semaphore, #tpu.memory_space<semaphore_mem>>) src(%dma_wait3A_27 : memref<64x64xf32, #tpu.memory_space<hbm>>) dst(%arg8 : memref<64x64xf32, #tpu.memory_space<vmem>>)
      tpu.yield
    }) : () -> ()
    %parallel_loop3A_9 = arith.constant 0 : i32
    %parallel_loop3A_10 = arith.constant 256 : i32
    %parallel_loop3A_11 = arith.constant 1 : i32
    scf.for %parallel_loop3A_13 = %parallel_loop3A_9 to %parallel_loop3A_10 step %parallel_loop3A_11  : i32 {
      %parallel_loop3A_14 = arith.constant 16 : i32
      %parallel_loop3A_15 = arith.muli %parallel_loop3A_13, %parallel_loop3A_14 : i32
      %parallel_loop3A_16 = arith.index_cast %parallel_loop3A_15 : i32 to index
      %parallel_loop3A_17 = tpu.vector_load %arg6[%parallel_loop3A_16] {strides = array<i32>} : memref<4096xi32, #tpu.memory_space<vmem>>, vector<16xi32>,
      %parallel_loop3A_18 = arith.constant 6 : i32
      %parallel_loop3A_19 = vector.broadcast %parallel_loop3A_18 : i32 to vector<16xi32>
      %parallel_loop3A_20 = arith.shrui %parallel_loop3A_17, %parallel_loop3A_19 : vector<16xi32>
      %parallel_loop3A_21 = arith.constant 63 : i32
      %parallel_loop3A_22 = vector.broadcast %parallel_loop3A_21 : i32 to vector<16xi32>
      %parallel_loop3A_23 = arith.andi %parallel_loop3A_17, %parallel_loop3A_22 : vector<16xi32>
      %parallel_loop3A_24 = tpu.vector_load_idx %arg8[%parallel_loop3A_20, %parallel_loop3A_23] : memref<64x64xf32, #tpu.memory_space<vmem>>[vector<16xi32>, vector<16xi32>], vector<16xf32>,
      %parallel_loop3A_25 = arith.constant 16 : i32
      %parallel_loop3A_26 = arith.muli %parallel_loop3A_13, %parallel_loop3A_25 : i32
      %parallel_loop3A_27 = arith.index_cast %parallel_loop3A_26 : i32 to index
      %parallel_loop3A_28 = tpu.vector_load %arg7[%parallel_loop3A_27] {strides = array<i32>} : memref<4096xf32, #tpu.memory_space<vmem>>, vector<16xf32>,
      %parallel_loop3A_29 = arith.constant 2 : i32
      %parallel_loop3A_30 = arith.shrui %parallel_loop3A_13, %parallel_loop3A_29 : i32
      %parallel_loop3A_31 = arith.constant 3 : i32
      %parallel_loop3A_32 = arith.andi %parallel_loop3A_13, %parallel_loop3A_31 : i32
      %parallel_loop3A_33 = arith.constant 16 : i32
      %parallel_loop3A_34 = arith.muli %parallel_loop3A_32, %parallel_loop3A_33 : i32
      %parallel_loop3A_35 = arith.mulf %parallel_loop3A_24, %parallel_loop3A_28 : vector<16xf32>
      %parallel_loop3A_36 = arith.index_cast %parallel_loop3A_30 : i32 to index
      %parallel_loop3A_37 = arith.index_cast %parallel_loop3A_34 : i32 to index
      %parallel_loop3A_38 = tpu.vector_load %arg9[%parallel_loop3A_36, %parallel_loop3A_37] {strides = array<i32>} : memref<64x64xf32, #tpu.memory_space<vmem>>, vector<16xf32>,
      tpu.vector_store %arg9[%parallel_loop3A_36, %parallel_loop3A_37], %parallel_loop3A_35 {strides = array<i32>} : memref<64x64xf32, #tpu.memory_space<vmem>>, vector<16xf32>,
    } {sc.loop_unroll_factor = 16 : i64, sc.parallel_access}
    %run_scoped3A_12 = arith.constant 0 : i32
    "tpu.region"() ({
      %run_scoped3A_13 = tpu.sem_alloc : memref<!tpu.dma_semaphore, #tpu.memory_space<semaphore_mem>>
      %dma_start3A = arith.constant 0 : i32
      %dma_start3A_14 = arith.constant 0 : i32
      %dma_start3A_15 = tpu.memref_slice %arg5[%run_scoped3A_12, %add3A_7, %dma_start3A, %dma_start3A_14] : memref<1x64x64x64xf32, #tpu.memory_space<hbm>> -> memref<1x1x64x64xf32, #tpu.memory_space<hbm>>
      %dma_start3A_16 = tpu.memref_squeeze %dma_start3A_15 : memref<1x1x64x64xf32, #tpu.memory_space<hbm>> -> memref<64x64xf32, #tpu.memory_space<hbm>>
      %dma_start3A_17 = arith.constant 0 : i32
      %dma_start3A_18 = arith.constant 0 : i32
      %dma_start3A_19 = tpu.memref_slice %arg5[%run_scoped3A_12, %add3A_7, %dma_start3A_17, %dma_start3A_18] : memref<1x64x64x64xf32, #tpu.memory_space<hbm>> -> memref<1x1x64x64xf32, #tpu.memory_space<hbm>>
      %dma_start3A_20 = tpu.memref_squeeze %dma_start3A_19 : memref<1x1x64x64xf32, #tpu.memory_space<hbm>> -> memref<64x64xf32, #tpu.memory_space<hbm>>
      tpu.enqueue_dma source(%arg9 : memref<64x64xf32, #tpu.memory_space<vmem>>) target(%dma_start3A_20 : memref<64x64xf32, #tpu.memory_space<hbm>>) target_semaphore(%run_scoped3A_13 : memref<!tpu.dma_semaphore, #tpu.memory_space<semaphore_mem>>)
      %dma_wait3A = arith.constant 0 : i32
      %dma_wait3A_21 = arith.constant 0 : i32
      %dma_wait3A_22 = tpu.memref_slice %arg5[%run_scoped3A_12, %add3A_7, %dma_wait3A, %dma_wait3A_21] : memref<1x64x64x64xf32, #tpu.memory_space<hbm>> -> memref<1x1x64x64xf32, #tpu.memory_space<hbm>>
      %dma_wait3A_23 = tpu.memref_squeeze %dma_wait3A_22 : memref<1x1x64x64xf32, #tpu.memory_space<hbm>> -> memref<64x64xf32, #tpu.memory_space<hbm>>
      %dma_wait3A_24 = arith.constant 0 : i32
      %dma_wait3A_25 = arith.constant 0 : i32
      %dma_wait3A_26 = tpu.memref_slice %arg5[%run_scoped3A_12, %add3A_7, %dma_wait3A_24, %dma_wait3A_25] : memref<1x64x64x64xf32, #tpu.memory_space<hbm>> -> memref<1x1x64x64xf32, #tpu.memory_space<hbm>>
      %dma_wait3A_27 = tpu.memref_squeeze %dma_wait3A_26 : memref<1x1x64x64xf32, #tpu.memory_space<hbm>> -> memref<64x64xf32, #tpu.memory_space<hbm>>
      tpu.wait_dma2 semaphore(%run_scoped3A_13 : memref<!tpu.dma_semaphore, #tpu.memory_space<semaphore_mem>>) src(%arg9 : memref<64x64xf32, #tpu.memory_space<vmem>>) dst(%dma_wait3A_27 : memref<64x64xf32, #tpu.memory_space<hbm>>)
      tpu.yield
    }) : () -> ()
    return
  }
}

module attributes {stable_mosaic.version = 14 : i64} {
  func.func @_argmax_body(%arg0: i32, %arg1: memref<64x4096xf32, #tpu.memory_space<vmem>>, %arg2: memref<4096x1xi32, #tpu.memory_space<vmem>>, %arg3: memref<1x1x2048xi32, #tpu.memory_space<vmem>>, %arg4: memref<64x4096xf32, #tpu.memory_space<vmem>>) attributes {dimension_semantics = [#tpu.dimension_semantics<arbitrary>], iteration_bounds = array<i64: 2>, scalar_prefetch = 0 : i64, scratch_operands = 1 : i64, tpu.core_type = #tpu.core_type<tc>, window_params = [{pipeline_mode = #tpu.pipeline_mode<synchronous>, transform_indices = @transform_0, window_bounds = array<i64: 64, 4096>}, {pipeline_mode = #tpu.pipeline_mode<synchronous>, transform_indices = @transform_1, window_bounds = array<i64: 4096, 1>}, {transform_indices = @transform_2, window_bounds = array<i64: 1, 1, 2048>}]} {
    %eq3A = arith.constant 0 : i32
    %eq3A_0 = arith.cmpi eq, %arg0, %eq3A : i32
    %convert_element_type3A = arith.extui %eq3A_0 : i1 to i32
    %cond3A = arith.constant 0 : i32
    %cond3A_1 = arith.cmpi ne, %convert_element_type3A, %cond3A : i32
    scf.if %cond3A_1 {
      %get3A_22 = arith.constant 0 : index
      %get3A_23 = arith.constant 0 : index
      %get3A_24 = vector.load %arg1[%get3A_22, %get3A_23] : memref<64x4096xf32, #tpu.memory_space<vmem>>, vector<64x4096xf32>
      %mul3A_25 = arith.mulf %get3A_24, %get3A_24 : vector<64x4096xf32>
      %reduce_sum3A = arith.constant dense<0.000000e+00> : vector<4096xf32>
      %reduce_sum3A_26 = vector.multi_reduction <add>, %mul3A_25, %reduce_sum3A [0] : vector<64x4096xf32> to vector<4096xf32>
      %broadcast_in_dim3A_27 = vector.shape_cast %reduce_sum3A_26 : vector<4096xf32> to vector<1x4096xf32>
      %sqrt3A = math.sqrt %broadcast_in_dim3A_27 : vector<1x4096xf32>
      %add3A = arith.constant 9.99999993E-9 : f32
      %add3A_28 = vector.broadcast %add3A : f32 to vector<1x4096xf32>
      %add3A_29 = arith.addf %sqrt3A, %add3A_28 : vector<1x4096xf32>
      %div3A = vector.broadcast %add3A_29 : vector<1x4096xf32> to vector<64x4096xf32>
      %div3A_30 = arith.divf %get3A_24, %div3A : vector<64x4096xf32>
      %swap3A_31 = arith.constant 0 : index
      %swap3A_32 = arith.constant 0 : index
      %swap3A_33 = vector.load %arg4[%swap3A_31, %swap3A_32] : memref<64x4096xf32, #tpu.memory_space<vmem>>, vector<64x4096xf32>
      tpu.vector_store %arg4[%swap3A_31, %swap3A_32], %div3A_30 {strides = array<i32>} : memref<64x4096xf32, #tpu.memory_space<vmem>>, vector<64x4096xf32>,
    } else {
    }
    %get3A = arith.constant 0 : index
    %get3A_2 = arith.constant 0 : index
    %get3A_3 = vector.load %arg4[%get3A, %get3A_2] : memref<64x4096xf32, #tpu.memory_space<vmem>>, vector<64x4096xf32>
    %mul3A = arith.constant 2048 : i32
    %mul3A_4 = arith.muli %arg0, %mul3A : i32
    %get3A_5 = arith.constant 0 : index
    %get3A_6 = arith.index_cast %mul3A_4 : i32 to index
    %get3A_7 = vector.load %arg1[%get3A_5, %get3A_6] : memref<64x4096xf32, #tpu.memory_space<vmem>>, vector<64x2048xf32>
    %dot_general3A = arith.constant dense<0.000000e+00> : vector<4096x2048xf32>
    %dot_general3A_8 = tpu.matmul %get3A_3, %get3A_7, %dot_general3A {dimension_numbers = #tpu.dot_dimension_numbers<[0], [0], [1], [1], [0, 1, 1, 1], [], []>, transpose_lhs_hint = false} : vector<64x4096xf32>, vector<64x2048xf32>, vector<4096x2048xf32> -> vector<4096x2048xf32>
    %get3A_9 = arith.constant 0 : index
    %get3A_10 = arith.constant 0 : index
    %get3A_11 = vector.load %arg2[%get3A_9, %get3A_10] : memref<4096x1xi32, #tpu.memory_space<vmem>>, vector<4096x1xi32>
    %ge3A = arith.constant 1 : i32
    %ge3A_12 = vector.broadcast %ge3A : i32 to vector<4096x1xi32>
    %ge3A_13 = arith.cmpi sge, %get3A_11, %ge3A_12 : vector<4096x1xi32>
    %jit3A = arith.constant -1.000000e+09 : f32
    %broadcast_in_dim3A = vector.shape_cast %ge3A_13 : vector<4096x1xi1> to vector<4096x1xi1>
    %broadcast_in_dim3A_14 = vector.broadcast %broadcast_in_dim3A : vector<4096x1xi1> to vector<4096x2048xi1>
    %broadcast_in_dim3A_15 = vector.broadcast %jit3A : f32 to vector<4096x2048xf32>
    %select_n3A = arith.select %broadcast_in_dim3A_14, %broadcast_in_dim3A_15, %dot_general3A_8 : vector<4096x2048xi1>, vector<4096x2048xf32>
    %argmax3A = tpu.reduce_index %select_n3A {axis = 0 : i32, kind = #tpu.reduction_kind<arg_max>} : vector<4096x2048xf32> -> vector<2048xi32>
    %broadcast_in_dim3A_16 = vector.shape_cast %argmax3A : vector<2048xi32> to vector<1x2048xi32>
    %swap3A = arith.constant 0 : index
    %swap3A_17 = arith.constant 0 : index
    %swap3A_18 = arith.constant 0 : index
    %swap3A_19 = vector.load %arg3[%swap3A, %swap3A_17, %swap3A_18] : memref<1x1x2048xi32, #tpu.memory_space<vmem>>, vector<1x1x2048xi32>
    %swap3A_20 = vector.shape_cast %swap3A_19 : vector<1x1x2048xi32> to vector<1x2048xi32>
    %swap3A_21 = vector.shape_cast %broadcast_in_dim3A_16 : vector<1x2048xi32> to vector<1x1x2048xi32>
    tpu.vector_store %arg3[%swap3A, %swap3A_17, %swap3A_18], %swap3A_21 {strides = array<i32>} : memref<1x1x2048xi32, #tpu.memory_space<vmem>>, vector<1x1x2048xi32>,
    return
  }
  func.func @transform_0(%arg0: i32) -> (i32, i32) {
    %c0_i32 = arith.constant 0 : i32
    %c0_i32_0 = arith.constant 0 : i32
    %c0_i32_1 = arith.constant 0 : i32
    return %c0_i32, %c0_i32_0 : i32, i32
  }
  func.func @transform_1(%arg0: i32) -> (i32, i32) {
    %c0_i32 = arith.constant 0 : i32
    %c0_i32_0 = arith.constant 0 : i32
    %c0_i32_1 = arith.constant 0 : i32
    return %c0_i32, %c0_i32_0 : i32, i32
  }
  func.func @transform_2(%arg0: i32) -> (i32, i32, i32) {
    %c0_i32 = arith.constant 0 : i32
    %c0_i32_0 = arith.constant 0 : i32
    %c0_i32_1 = arith.constant 0 : i32
    return %arg0, %c0_i32, %c0_i32_0 : i32, i32, i32
  }
}

</mosaic_0001>

<sc_bundles>
// kernel: kernel.4.cloned.1.call-start
scs
__scs_entry_jumppad:
0x0: {  	(pc) =	sbr.rel $0x88, $3  }
0x1: {  	(tag) =	ssettag $0x0;
	lr =	simm.s32 $0x1  }
0x2: {  	[smem:$0x3F9F] =	sst lr;
	_ =	strace $0xD0000000  }
0x3: {  	_ = 	snop  }
0x4: {  	_ = 	snop  }
0x5: {  	_ = 	snop  }
0x6: {  	_ = 	snop  }
0x7: {  	_ = 	snop  }
__scs_overlays_trampoline_lowered:
0x8: {  	[smem:$0x3FAE] =	sst s0  }
0x9: {  	[smem:$0x3FAF] =	sst s1  }
0xa: {  	[smem:$0x3FB0] =	sst s2  }
0xb: {  	[smem:$0x3FB1] =	sst s3  }
0xc: {  	[smem:$0x3FB2] =	sst s4  }
0xd: {  	[smem:$0x3FB3] =	sst s5  }
0xe: {  	[smem:$0x3FB4] =	sst s6  }
0xf: {  	[smem:$0x3FB5] =	sst s7  }
0x10: {  	[smem:$0x3FB6] =	sst s8  }
0x11: {  	[smem:$0x3FB7] =	sst s9;
	s0 =	simm.s32 @!p0 $0x0  }
0x12: {  	s1 =	sld [smem:$0x3F9D];
	s0 =	simm.s32 @p0 $0x1  }
0x13: {  	[smem:$0x3FB8] =	sst s0;
	s0 =	simm.s32 @!p1 $0x0  }
0x14: {  	s2 =	sld [smem:$0x3F9C];
	s0 =	simm.s32 @p1 $0x1  }
0x15: {  	[smem:$0x3FB9] =	sst s0;
	s0 =	simm.s32 @!p2 $0x0  }
0x16: {  	s3 =	sld [smem:$0x3FDB];
	s0 =	simm.s32 @p2 $0x1  }
0x17: {  	s4 =	simm.s32 $0x1BF5;
	[smem:$0x3FBB] =	sst s0  }
0x18: {  	s0 =	sld [smem:$0x3F9E];
	_ =	swait.ge [sflag:s4], $0x0  }
0x19: {  	s7 =	sld [smem:$0x3F9F]  }
0x1a: {  	s8 =	sadd.s32 $0xFFFFE003, lr  }
0x1b: {  	s9 =	sadd.s32 $0xFFFFFEF7, lr;
	s5 =	simm.s32 $0xFFFFFFFF;
	p2 =	slt.u32 s8, $0xFFFFF086  }
0x1c: {  	p1 =	slt.u32 s9, $0xF7A;
	s5 =	simm.s32 @!p2 $0x0  }
0x1d: {  	s5 =	simm.s32 @p1 $0x1;
	p0 =	seq.s32 s7, s2  }
0x1e: {  	s7 =	smul.u32 @!p0 $0xF7A, s2;
	p2 =	seq.s32 @!p0 s5, $0x0  }
0x1f: {  	s9 =	smul.u32 $0xF7A, s1;
	s8 =	simm.s32 @!p0 $0x1BF5;
	p2 =	por !p2, p0  }
0x20: {  	[sflag:s8] =	ssyncset.s32 @!p0 $0xFFFFF086;
	s6 =	sadd.s32 @!p0 s3, s7;
	s7 =	simm.s32 @!p0 $0x108  }
0x21: {  	s3 =	sadd.s32 s3, s9;
	s6 =	sadd.s32 @!p0 $0x88, s6;
	s7 =	simm.s32 @p2 $0x1082  }
0x22: {  	[simem:s7], [sflag:s8] =	dma.local @!p0 [hbm:s6], $0xF7A  }
0x23: {  	s9 =	sor.u32 $0xD0000000, s2;
	s6 =	simm.s32 $0x108;
	_ =	swait.ge @!p0 [sflag:s8], $0x0  }
0x24: {  	s3 =	sadd.s32 $0x88, s3;
	s6 =	simm.s32 @!p1 $0x1082;
	[sflag:s4] =	ssyncset.s32 $0xFFFFF086  }
0x25: {  	[simem:s6], [sflag:s4] =	dma.local [hbm:s3], $0xF7A  }
0x26: {  	[smem:$0x3F9F] =	sst s1;
	(tag) =	ssettag s2;
	_ =	strace s9  }
0x27: {  	s1 =	sld [smem:$0x3FAF]  }
0x28: {  	s2 =	sld [smem:$0x3FB0]  }
0x29: {  	s4 =	sld [smem:$0x3FB2]  }
0x2a: {  	p0 =	seq.s32 s5, $0x0;
	s5 =	sld [smem:$0x3FB3]  }
0x2b: {  	s6 =	sld [smem:$0x3FB4]  }
0x2c: {  	s7 =	sld [smem:$0x3FB5]  }
0x2d: {  	s3 =	simm.s32 $0x108;
	s8 =	sld [smem:$0x3FB6]  }
0x2e: {  	s3 =	simm.s32 @!p0 $0x1082;
	s9 =	sld [smem:$0x3FB7]  }
0x2f: {  	lr =	sadd.s32 s0, s3;
	s0 =	sld [smem:$0x3FAE]  }
0x30: {  	s3 =	sld [smem:$0x3FB1]  }
0x31: {  	[smem:$0x3FBA] =	sst s10  }
0x32: {  	s10 =	sld [smem:$0x3FB8];
	_ =	sdelay $0x3  }
0x33: {  	p0 =	seq.s32 s10, $0x1;
	s10 =	sld [smem:$0x3FBA];
	_ =	sdelay $0x3  }
0x34: {  	[smem:$0x3FBA] =	sst s10  }
0x35: {  	s10 =	sld [smem:$0x3FB9];
	_ =	sdelay $0x3  }
0x36: {  	p1 =	seq.s32 s10, $0x1;
	s10 =	sld [smem:$0x3FBA];
	_ =	sdelay $0x3  }
0x37: {  	[smem:$0x3FBA] =	sst s10  }
0x38: {  	s10 =	sld [smem:$0x3FBB]  }
0x39: {  	_ = 	snop;
	(pc) =	sbr.ind lr, $3  }
0x3a: {  	_ = 	snop  }
0x3b: {  	_ = 	snop  }
0x3c: {  	p2 =	seq.s32 s10, $0x1;
	s10 =	sld [smem:$0x3FBA]  }
0x3d: {  	_ =	shalt  }
0x3e: {  	_ =	shalt  }
0x3f: {  	_ =	shalt  }
0x40: {  	_ =	shalt  }
0x41: {  	_ =	shalt  }
0x42: {  	_ =	shalt  }
0x43: {  	_ =	shalt  }
0x44: {  	_ =	shalt  }
0x45: {  	_ =	shalt  }
0x46: {  	_ =	shalt  }
0x47: {  	_ =	shalt  }
0x48: {  	_ =	shalt  }
0x49: {  	_ =	shalt  }
0x4a: {  	_ =	shalt  }
0x4b: {  	_ =	shalt  }
0x4c: {  	_ =	shalt  }
0x4d: {  	_ =	shalt  }
0x4e: {  	_ =	shalt  }
0x4f: {  	_ =	shalt  }
0x50: {  	_ =	shalt  }
0x51: {  	_ =	shalt  }
0x52: {  	_ =	shalt  }
0x53: {  	_ =	shalt  }
0x54: {  	_ =	shalt  }
0x55: {  	_ =	shalt  }
0x56: {  	_ =	shalt  }
0x57: {  	_ =	shalt  }
0x58: {  	_ =	shalt  }
0x59: {  	_ =	shalt  }
0x5a: {  	_ =	shalt  }
0x5b: {  	_ =	shalt  }
0x5c: {  	_ =	shalt  }
0x5d: {  	_ =	shalt  }
0x5e: {  	_ =	shalt  }
0x5f: {  	_ =	shalt  }
0x60: {  	_ =	shalt  }
0x61: {  	_ =	shalt  }
0x62: {  	_ =	shalt  }
0x63: {  	_ =	shalt  }
0x64: {  	_ =	shalt  }
0x65: {  	_ =	shalt  }
0x66: {  	_ =	shalt  }
0x67: {  	_ =	shalt  }
0x68: {  	_ =	shalt  }
0x69: {  	_ =	shalt  }
0x6a: {  	_ =	shalt  }
0x6b: {  	_ =	shalt  }
0x6c: {  	_ =	shalt  }
0x6d: {  	_ =	shalt  }
0x6e: {  	_ =	shalt  }
0x6f: {  	_ =	shalt  }
0x70: {  	_ =	shalt  }
0x71: {  	_ =	shalt  }
0x72: {  	_ =	shalt  }
0x73: {  	_ =	shalt  }
0x74: {  	_ =	shalt  }
0x75: {  	_ =	shalt  }
0x76: {  	_ =	shalt  }
0x77: {  	_ =	shalt  }
0x78: {  	_ =	shalt  }
0x79: {  	_ =	shalt  }
0x7a: {  	_ =	shalt  }
0x7b: {  	_ =	shalt  }
0x7c: {  	_ =	shalt  }
0x7d: {  	_ =	shalt  }
0x7e: {  	_ =	shalt  }
0x7f: {  	_ =	shalt  }
0x80: {  	_ =	shalt  }
0x81: {  	_ =	shalt  }
0x82: {  	_ =	shalt  }
0x83: {  	_ =	shalt  }
0x84: {  	_ =	shalt  }
0x85: {  	_ =	shalt  }
0x86: {  	_ =	shalt  }
0x87: {  	_ =	shalt  }
.Lfunc_end0:
.L_simem_size_0:
called_computation_lowered:
.L_overlay_start_0:
0x88: {  	s2 =	sld [smem:$0x3FD9]  }
0x89: {  	s3 =	sld [smem:$0x3FFE];
	_ =	sdelay $0x1  }
0x8a: {  	s1 =	srdreg.scid  }
0x8b: {  	s0 =	sand.u32 $0x1, s1  }
0x8c: {  	s16 =	sshll.u32 s0, $0xA;
	s2 =	sadd.s32 s3, s2  }
0x8d: {  	s2 =	sadd.s32 s2, s16  }
0x8e: {  	[smem:$0x3FC6] =	sst s2  }
0x8f: {  	_ = 	snop  }
0x90: {  	(tm) =	ssettm $0x1  }
0x91: {  	s17 =	sld [smem:$0x3FFB];
	_ =	sdelay $0x3  }
0x92: {  	_ =	strace s17  }
0x93: {  	s2 =	sld [smem:$0x3FFC];
	_ =	sdelay $0x3  }
0x94: {  	_ =	strace s2  }
0x95: {  	s2 =	sld [smem:$0x3FFD];
	_ =	sdelay $0x3  }
0x96: {  	_ =	strace s2  }
0x97: {  	_ =	strace $0x8FFFFFFF  }
0x98: {  	s18 =	sld [smem:$0x3FDB];
	_ =	sdelay $0x1  }
0x99: {  	s19 =	simm.s32 $_scs_section_size  }
0x9a: {  	s4 =	simm.s32 $_size__tile_overlayer_lowered;
	s5 =	simm.s32 $_tile_overlayer_lowered  }
0x9b: {  	s22 =	simm.s32 $0x1BFF;
	s21 =	sshll.u32 s5, $0x1;
	s2 =	sadd.s32 s19, s18  }
0x9c: {  	s6 =	simm.s32 $0x0;
	s20 =	sshll.u32 s4, $0x1;
	s4 =	sadd.s32 s21, s2  }
0x9d: {  	[timem:s6], [sflag:s22] =	dma.local [hbm:s4], s20  }
0x9e: {  	_ =	swait.ge [sflag:s22], s20  }
0x9f: {  	s3 =	ssub.s32 $0x0, s20;
	[sflag:s22] =	ssyncset.done $0x0  }
0xa0: {  	[sflag:s22] =	ssyncadd.s32 s3;
	_ =	sdelay $0x1  }
0xa1: {  	s23 =	simm.s32 $0x1B8B  }
0xa2: {  	_ =	swait.ge [sflag:s23], $0x1  }
0xa3: {  	[sflag:s23] =	ssyncset.done $0x0  }
0xa4: {  	s25 =	simm.s32 $0x1B8E;
	s24 =	sld [smem:$0x3FFE];
	[sflag:s23] =	ssyncadd.s32 $0xFFFFFFFF  }
0xa5: {  	s26 =	simm.s32 $execute0_lowered;
	[smem:$0x3FD2] =	sst s25  }
0xa6: {  	s4 =	sshll.u32 s26, $0x1;
	_ =	strace $0x80000046;
	[dreg:$0x1] =	wrdreg $0xFFFFFFFF  }
0xa7: {  	s28 =	simm.s32 $_size_execute0_lowered;
	s2 =	sadd.s32 s2, s4;
	[dreg:$0x0] =	wrdreg $0x0  }
0xa8: {  	s4 =	sshll.u32 s28, $0x1;
	[dreg:$0x2] =	wrdreg s2  }
0xa9: {  	[dreg:$0x3] =	wrdreg s4  }
0xaa: {  	[dreg:$0x4] =	wrdreg $0xC0  }
0xab: {  	_ =	task [dreg:s6], $0x5FFFF  }
0xac: {  	[dreg:$0x1] =	wrdreg $0xFFFFFFFF  }
0xad: {  	[dreg:$0x0] =	wrdreg $0x60  }
0xae: {  	[dreg:$0x2] =	wrdreg s24  }
0xaf: {  	[dreg:$0x3] =	wrdreg $0x9  }
0xb0: {  	_ =	task.clear_ibuf [dreg:s6], $0x4FFFF;
	_ =	strace $0x90000046  }
0xb1: {  	s29 =	simm.s32 $0x9;
	_ =	strace $0x80000048  }
0xb2: {  	_ =	swait.ge [sflag:s29], $0x1  }
0xb3: {  	[sflag:s29] =	ssyncadd.s32 $0xFFFFFFFF  }
0xb4: {  	_ =	strace $0x90000048  }
0xb5: {  	_ =	sfence  }
0xb6: {  	s30 =	sld [smem:$0x0];
	_ =	sdelay $0x2  }
0xb7: {  	s31 =	sshll.u32 s1, $0xD;
	s1 =	sshrl.u32 s1, $0x2  }
0xb8: {  	s3 =	sand.u32 $0x4000, s31;
	s1 =	sadd.s32 s1, s30  }
0xb9: {  	s0 =	sor.u32 s3, s0;
	s1 =	sshll.u32 s1, $0x11  }
0xba: {  	s0 =	sor.u32 s1, s0  }
0xbb: {  	s0 =	sadd.s32 $0x8F2B, s0  }
0xbc: {  	[sflag:s0] =	ssyncadd.remote.s32 $0x1  }
0xbd: {  	_ =	sfence.sel $0xFFFF  }
0xbe: {  	[dreg:$0x0] =	wrdreg $0xFFFFFFFF;
	(pc) =	sbr.abs _section_cstart, $3  }
0xbf: {  	[dreg:$0x1] =	wrdreg $0xFFFFFFFF  }
0xc0: {  	_ =	task.clear_ibuf [dreg:s6], $0x2FFFF;
	_ =	strace $0x9FFFFFFF  }
0xc1: {  	(tm) =	ssettm $0x7FFFFFFF  }
tec
execute0_lowered:
.L_overlay_start_1:
0x0: {  	(tag) =	ssettag $0x1  }
0x1: {  	s5 =	rddreg [dreg:$0x0]  }
0x2: {  	s0 =	rddreg [dreg:$0x1]  }
0x3: {  	s1 =	simm.s32 $0x0;
	s6 =	srdreg.scid;
	s2 =	stileid.u32  }
0x4: {  	s11 =	simm.s32 $0x1000;
	s12 =	simm.s32 $0x2000;
	s13 =	simm.s32 $0x4000  }
0x5: {  	s14 =	simm.s32 $0x0;
	[smem:$0x7FF] =	sst s1;
	s7 =	sadd.s32 $0xC00, s5  }
0x6: {  	s3 =	sadd.s32 $0x20C00, s5;
	s4 =	sadd.s32 $0xA00, s5;
	s6 =	sand.u32 $0x1, s6  }
0x7: {  	s9 =	sshll.u32 s2, $0xB;
	s8 =	ssub.s32 $0x2, s6;
	s6 =	sshll.u32 s6, $0xA  }
0x8: {  	s10 =	sadd.s32 $0x20E00, s5;
	s29 =	sshrl.u32 s8, $0x1;
	s6 =	sor.u32 s6, s9  }
0x9: {  	_ =	strace $0x80000047;
	s30 =	ssub.s32 s8, s29;
	s31 =	sor.u32 $0x8000, s6  }
0xa: {  	s5 =	sadd.s32 s7, s6;
	s6 =	sadd.s32 s10, s6;
	s7 =	sadd.s32 s7, s31  }
0xb: {  	s8 =	sadd.s32 s10, s31;
	s9 =	smax.u32 s30, $0x1;
	s10 =	simm.s32 $0x1  }
.LBB2_1:
0xc: {  	[tilespmem:s1], [sflag:$0x1] =	stream.linear.gather [hbm4b:s3+s1], $0x1000, $0x38;
	[tilespmem:$0x6000] =	vst v63  }
0xd: {  	_ =	swait.ge [sflag:s10], $0x1000  }
0xe: {  	[sflag:s10] =	ssyncset.done $0x0  }
0xf: {  	[sflag:s10] =	ssyncadd.s32 $0xFFFFF000  }
0x10: {  	[tilespmem:s11], [sflag:$0x1] =	stream.linear.gather [hbm4b:s4+s1], $0x1000, $0x38;
	[tilespmem:$0x6000] =	vst v63  }
0x11: {  	_ =	swait.ge [sflag:s10], $0x1000  }
0x12: {  	[sflag:s10] =	ssyncset.done $0x0  }
0x13: {  	[sflag:s10] =	ssyncadd.s32 $0xFFFFF000  }
0x14: {  	[tilespmem:s12], [sflag:$0x1] =	stream.linear.gather [hbm4b:s5+s1], $0x2000, $0x38;
	[tilespmem:$0x6000] =	vst v63  }
0x15: {  	_ =	swait.ge [sflag:s10], $0x2000  }
0x16: {  	[sflag:s10] =	ssyncset.done $0x0  }
0x17: {  	s16 =	simm.s32 $0x80;
	[sflag:s10] =	ssyncadd.s32 $0xFFFFE000  }
0x18: {  	v0 =	vld [tilespmem:s16+$0x70]  }
0x19: {  	v1 =	vld [tilespmem:s16+$0xFFFFFF90]  }
0x1a: {  	v2 =	vld [tilespmem:s16+$0xFFFFFFA0]  }
0x1b: {  	v3 =	vld [tilespmem:s16+$0xFFFFFFB0]  }
0x1c: {  	v4 =	vld [tilespmem:s16+$0xFFFFFFC0]  }
0x1d: {  	v5 =	vld [tilespmem:s16+$0xFFFFFFD0]  }
0x1e: {  	v7 =	vld [tilespmem:s16+$0xFFFFFFE0]  }
0x1f: {  	v8 =	vld [tilespmem:s16+$0xFFFFFFF0]  }
0x20: {  	v9 =	vld [tilespmem:s16+$0x10]  }
0x21: {  	v10 =	vld [tilespmem:s16+$0x20]  }
0x22: {  	s15 =	simm.s32 $0x1080;
	v11 =	vld [tilespmem:s16+$0x30]  }
0x23: {  	v13 =	vld [tilespmem:s15+$0x70]  }
0x24: {  	v15 =	vld [tilespmem:s16+$0x40]  }
0x25: {  	v16 =	vld [tilespmem:s16+$0x50];
	v6 =	vshll.u32 v0, $0x1  }
0x26: {  	v20 =	vld [tilespmem:s16+$0xFFFFFF80];
	v0 =	vand.u32 $0x3F, v0;
	v14 =	vshll.u32 v2, $0x1;
	v6 =	vand.u32 $0xFFFFFF80, v6  }
0x27: {  	v19 =	vld [tilespmem:s16+$0x60];
	v17 =	vshll.u32 v3, $0x1;
	v2 =	vand.u32 $0x3F, v2;
	v0 =	vor.u32 v0, v6  }
0x28: {  	v22 =	vld [tilespmem:s15+$0xFFFFFF80];
	v18 =	vshll.u32 v4, $0x1;
	v3 =	vand.u32 $0x3F, v3;
	v21 =	vshll.u32 v5, $0x1  }
0x29: {  	v51 =	vld [tilespmem:s15+$0xFFFFFF90];
	v4 =	vand.u32 $0x3F, v4;
	v50 =	vshll.u32 v7, $0x1;
	v5 =	vand.u32 $0x3F, v5  }
0x2a: {  	v52 =	vld [tilespmem:s15+$0xFFFFFFA0];
	v23 =	vshll.u32 v8, $0x1;
	v7 =	vand.u32 $0x3F, v7;
	v8 =	vand.u32 $0x3F, v8  }
0x2b: {  	v24 =	vld [tilespmem:s15+$0xFFFFFFB0];
	v26 =	vshll.u32 v20, $0x1;
	v20 =	vand.u32 $0x3F, v20;
	v14 =	vand.u32 $0xFFFFFF80, v14  }
0x2c: {  	v17 =	vand.u32 $0xFFFFFF80, v17;
	v2 =	vor.u32 v2, v14;
	v12 =	vld.idx.msk [tilespmem:v0+s12+$0x0], $0xffff;
	v0 =	vshll.u32 v1, $0x1  }
0x2d: {  	v6 =	vld [tilespmem:s16+$0x0];
	v3 =	vor.u32 v3, v17;
	v1 =	vand.u32 $0x3F, v1;
	v0 =	vand.u32 $0xFFFFFF80, v0  }
0x2e: {  	v27 =	vld [tilespmem:s15+$0xFFFFFFC0];
	v53 =	vshll.u32 v9, $0x1;
	v9 =	vand.u32 $0x3F, v9;
	v0 =	vor.u32 v1, v0  }
0x2f: {  	v55 =	vld [tilespmem:s15+$0xFFFFFFD0];
	v56 =	vshll.u32 v11, $0x1;
	v11 =	vand.u32 $0x3F, v11;
	v23 =	vand.u32 $0xFFFFFF80, v23  }
0x30: {  	v57 =	vld [tilespmem:s15+$0xFFFFFFE0];
	v59 =	vshll.u32 v19, $0x1;
	v26 =	vand.u32 $0xFFFFFF80, v26;
	v8 =	vor.u32 v8, v23  }
0x31: {  	v18 =	vand.u32 $0xFFFFFF80, v18;
	v20 =	vor.u32 v20, v26;
	v54 =	vld.idx.msk [tilespmem:v2+s12+$0x0], $0xffff;
	v1 =	vand.u32 $0xFFFFFF80, v21  }
0x32: {  	v25 =	vshll.u32 v6, $0x1;
	v2 =	vand.u32 $0x3F, v6;
	v1 =	vor.u32 v5, v1;
	v5 =	vld.idx.msk [tilespmem:v3+s12+$0x0], $0xffff  }
0x33: {  	v6 =	vand.u32 $0xFFFFFF80, v53;
	v21 =	vand.u32 $0xFFFFFF80, v50;
	v28 =	vld.idx.msk [tilespmem:v0+s12+$0x0], $0xffff;
	v0 =	vor.u32 v4, v18  }
0x34: {  	v63 =	vld [tilespmem:s15+$0xFFFFFFF0];
	v6 =	vor.u32 v9, v6;
	v3 =	vshll.u32 v10, $0x1;
	v7 =	vor.u32 v7, v21  }
0x35: {  	v60 =	vld.idx.msk [tilespmem:v8+s12+$0x0], $0xffff;
	v10 =	vand.u32 $0x3F, v10;
	v3 =	vand.u32 $0xFFFFFF80, v3;
	v4 =	vand.u32 $0xFFFFFF80, v25  }
0x36: {  	v8 =	vand.u32 $0xFFFFFF80, v59;
	v9 =	vld.idx.msk [tilespmem:v20+s12+$0x0], $0xffff;
	v3 =	vor.u32 v10, v3;
	v2 =	vor.u32 v2, v4  }
0x37: {  	v4 =	vshll.u32 v15, $0x1;
	v15 =	vand.u32 $0x3F, v15;
	v10 =	vld.idx.msk [tilespmem:v1+s12+$0x0], $0xffff;
	v1 =	vand.u32 $0x3F, v16  }
0x38: {  	v16 =	vshll.u32 v16, $0x1;
	v5 =	vmul.f32 v24, v5;
	v58 =	vld.idx.msk [tilespmem:v0+s12+$0x0], $0xffff;
	v0 =	vand.u32 $0xFFFFFF80, v56  }
0x39: {  	v7 =	vld.idx.msk [tilespmem:v7+s12+$0x0], $0xffff;
	v4 =	vand.u32 $0xFFFFFF80, v4;
	v0 =	vor.u32 v11, v0;
	v11 =	vand.u32 $0xFFFFFF80, v16  }
0x3a: {  	s16 =	simm.s32 $0x4100;
	v62 =	vld.idx.msk [tilespmem:v6+s12+$0x0], $0xffff;
	v15 =	vor.u32 v15, v4;
	v4 =	vand.u32 $0x3F, v19;
	v11 =	vor.u32 v1, v11  }
0x3b: {  	[tilespmem:s16+$0xFFFFFF30] =	vst v5;
	v5 =	vmul.f32 v22, v9;
	v9 =	vld [tilespmem:s15+$0x10];
	v8 =	vor.u32 v4, v8  }
0x3c: {  	v4 =	vld.idx.msk [tilespmem:v3+s12+$0x0], $0xffff  }
0x3d: {  	v61 =	vld.idx.msk [tilespmem:v2+s12+$0x0], $0xffff  }
0x3e: {  	v3 =	vmul.f32 v13, v12;
	[tilespmem:s16+$0xFFFFFF00] =	vst v5;
	v5 =	vmul.f32 v57, v7;
	v7 =	vld [tilespmem:s15+$0x40]  }
0x3f: {  	v2 =	vld.idx.msk [tilespmem:v11+s12+$0x0], $0xffff;
	v11 =	vmul.f32 v52, v54  }
0x40: {  	v6 =	vmul.f32 v51, v28;
	[tilespmem:s16+$0xB0] =	vst v3;
	v3 =	vld.idx.msk [tilespmem:v8+s12+$0x0], $0xffff  }
0x41: {  	[tilespmem:s16+$0xFFFFFF20] =	vst v11;
	v11 =	vld [tilespmem:s15+$0x0]  }
0x42: {  	[tilespmem:s16+$0xFFFFFF10] =	vst v6;
	v8 =	vld [tilespmem:s15+$0x20];
	v6 =	vmul.f32 v27, v58  }
0x43: {  	v10 =	vmul.f32 v55, v10;
	v0 =	vld.idx.msk [tilespmem:v0+s12+$0x0], $0xffff  }
0x44: {  	[tilespmem:s16+$0xFFFFFF80] =	vst v6;
	v6 =	vld [tilespmem:s15+$0x30]  }
0x45: {  	v1 =	vld.idx.msk [tilespmem:v15+s12+$0x0], $0xffff;
	[tilespmem:s16+$0xFFFFFF90] =	vst v10;
	v10 =	vmul.f32 v63, v60  }
0x46: {  	[tilespmem:s16+$0xFFFFFFA0] =	vst v5;
	v5 =	vld [tilespmem:s15+$0x50];
	v11 =	vmul.f32 v11, v61  }
0x47: {  	s17 =	simm.s32 $0x0;
	s18 =	simm.s32 $0x180;
	[tilespmem:s16+$0xFFFFFFB0] =	vst v10;
	v10 =	vmul.f32 v9, v62;
	v9 =	vld [tilespmem:s15+$0x60]  }
.LBB2_2:
0x48: {  	v12 =	vld [tilespmem:s18+$0x70];
	s17 =	sadd.s32 $0x10, s17;
	[tilespmem:s16+$0x0] =	vst v11;
	v4 =	vmul.f32 v8, v4  }
0x49: {  	v8 =	vld [tilespmem:s18+$0xFFFFFF90];
	p0 =	slt.u32 s17, $0xF0;
	[tilespmem:s16+$0x10] =	vst v10;
	v0 =	vmul.f32 v6, v0  }
0x4a: {  	v6 =	vld [tilespmem:s18+$0xFFFFFFA0];
	[tilespmem:s16+$0x20] =	vst v4;
	v1 =	vmul.f32 v7, v1  }
0x4b: {  	v4 =	vld [tilespmem:s18+$0xFFFFFFB0];
	[tilespmem:s16+$0x30] =	vst v0;
	v0 =	vmul.f32 v5, v2  }
0x4c: {  	v2 =	vld [tilespmem:s18+$0xFFFFFFC0];
	[tilespmem:s16+$0x80] =	vst v1;
	v1 =	vmul.f32 v9, v3  }
0x4d: {  	v3 =	vld [tilespmem:s18+$0xFFFFFFD0];
	v5 =	vshll.u32 v12, $0x1;
	[tilespmem:s16+$0x90] =	vst v0  }
0x4e: {  	v9 =	vand.u32 $0x3F, v12;
	v0 =	vshll.u32 v8, $0x1;
	v7 =	vld [tilespmem:s18+$0xFFFFFFE0];
	v5 =	vand.u32 $0xFFFFFF80, v5;
	[tilespmem:s16+$0xA0] =	vst v1  }
0x4f: {  	v0 =	vand.u32 $0xFFFFFF80, v0;
	v1 =	vshll.u32 v6, $0x1;
	v10 =	vld [tilespmem:s18+$0xFFFFFFF0];
	v5 =	vor.u32 v9, v5  }
0x50: {  	v8 =	vand.u32 $0x3F, v8;
	v1 =	vand.u32 $0xFFFFFF80, v1;
	v9 =	vshll.u32 v4, $0x1;
	v11 =	vld [tilespmem:s18+$0x0]  }
0x51: {  	v6 =	vand.u32 $0x3F, v6;
	v9 =	vand.u32 $0xFFFFFF80, v9;
	v12 =	vshll.u32 v2, $0x1;
	v13 =	vld [tilespmem:s18+$0x10]  }
0x52: {  	v4 =	vand.u32 $0x3F, v4;
	v12 =	vand.u32 $0xFFFFFF80, v12;
	v14 =	vshll.u32 v3, $0x1;
	v15 =	vld [tilespmem:s18+$0x20]  }
0x53: {  	v2 =	vand.u32 $0x3F, v2;
	v14 =	vand.u32 $0xFFFFFF80, v14;
	v16 =	vshll.u32 v7, $0x1;
	v17 =	vld [tilespmem:s18+$0x30]  }
0x54: {  	s15 =	sadd.s32 $0x100, s15;
	v3 =	vand.u32 $0x3F, v3;
	v16 =	vand.u32 $0xFFFFFF80, v16;
	v18 =	vshll.u32 v10, $0x1;
	v5 =	vld.idx.msk [tilespmem:v5+s12+$0x0], $0xffff  }
0x55: {  	v7 =	vand.u32 $0x3F, v7;
	v18 =	vand.u32 $0xFFFFFF80, v18;
	v19 =	vshll.u32 v11, $0x1;
	v20 =	vld [tilespmem:s15+$0x70]  }
0x56: {  	v10 =	vand.u32 $0x3F, v10;
	v19 =	vand.u32 $0xFFFFFF80, v19;
	v21 =	vshll.u32 v13, $0x1;
	v22 =	vld [tilespmem:s18+$0x40]  }
0x57: {  	v11 =	vand.u32 $0x3F, v11;
	v21 =	vand.u32 $0xFFFFFF80, v21;
	v23 =	vshll.u32 v15, $0x1;
	v24 =	vld [tilespmem:s18+$0x50]  }
0x58: {  	v13 =	vand.u32 $0x3F, v13;
	v23 =	vand.u32 $0xFFFFFF80, v23;
	v25 =	vshll.u32 v17, $0x1;
	v26 =	vld [tilespmem:s18+$0x60]  }
0x59: {  	v15 =	vand.u32 $0x3F, v15;
	v17 =	vand.u32 $0x3F, v17;
	v27 =	vld [tilespmem:s18+$0xFFFFFF80];
	v25 =	vand.u32 $0xFFFFFF80, v25  }
0x5a: {  	v0 =	vor.u32 v8, v0;
	v1 =	vor.u32 v6, v1;
	v28 =	vld [tilespmem:s15+$0xFFFFFF80];
	v5 =	vmul.f32 v20, v5  }
0x5b: {  	s16 =	sadd.s32 $0x200, s16;
	v4 =	vor.u32 v4, v9;
	v6 =	vld [tilespmem:s15+$0xFFFFFF90];
	v8 =	vand.u32 $0x3F, v22;
	v9 =	vshll.u32 v22, $0x1  }
0x5c: {  	v20 =	vld [tilespmem:s15+$0xFFFFFFA0];
	v9 =	vand.u32 $0xFFFFFF80, v9;
	v22 =	vand.u32 $0x3F, v24;
	v24 =	vshll.u32 v24, $0x1;
	[tilespmem:s16+$0xB0] =	vst v5  }
0x5d: {  	v5 =	vld [tilespmem:s15+$0xFFFFFFB0];
	v24 =	vand.u32 $0xFFFFFF80, v24;
	v29 =	vand.u32 $0x3F, v26;
	v26 =	vshll.u32 v26, $0x1  }
0x5e: {  	v30 =	vand.u32 $0x3F, v27;
	v27 =	vshll.u32 v27, $0x1;
	v31 =	vld [tilespmem:s15+$0xFFFFFFC0];
	v26 =	vand.u32 $0xFFFFFF80, v26  }
0x5f: {  	v2 =	vor.u32 v2, v12;
	v3 =	vor.u32 v3, v14;
	v27 =	vand.u32 $0xFFFFFF80, v27;
	v0 =	vld.idx.msk [tilespmem:v0+s12+$0x0], $0xffff  }
0x60: {  	v7 =	vor.u32 v7, v16;
	v10 =	vor.u32 v10, v18;
	v12 =	vor.u32 v30, v27;
	v1 =	vld.idx.msk [tilespmem:v1+s12+$0x0], $0xffff  }
0x61: {  	v11 =	vor.u32 v11, v19;
	v13 =	vor.u32 v13, v21;
	v14 =	vor.u32 v15, v23;
	v4 =	vld.idx.msk [tilespmem:v4+s12+$0x0], $0xffff  }
0x62: {  	v16 =	vor.u32 v17, v25;
	v8 =	vor.u32 v8, v9;
	v9 =	vor.u32 v22, v24;
	v15 =	vld [tilespmem:s15+$0xFFFFFFD0]  }
0x63: {  	v18 =	vor.u32 v29, v26;
	v17 =	vld [tilespmem:s15+$0xFFFFFFE0]  }
0x64: {  	v2 =	vld.idx.msk [tilespmem:v2+s12+$0x0], $0xffff  }
0x65: {  	v0 =	vmul.f32 v6, v0;
	v12 =	vld.idx.msk [tilespmem:v12+s12+$0x0], $0xffff  }
0x66: {  	v1 =	vmul.f32 v20, v1;
	v3 =	vld.idx.msk [tilespmem:v3+s12+$0x0], $0xffff  }
0x67: {  	[tilespmem:s16+$0xFFFFFF10] =	vst v0;
	v0 =	vmul.f32 v5, v4;
	v5 =	vld.idx.msk [tilespmem:v7+s12+$0x0], $0xffff  }
0x68: {  	[tilespmem:s16+$0xFFFFFF20] =	vst v1;
	v7 =	vld.idx.msk [tilespmem:v10+s12+$0x0], $0xffff  }
0x69: {  	[tilespmem:s16+$0xFFFFFF30] =	vst v0;
	v10 =	vld.idx.msk [tilespmem:v11+s12+$0x0], $0xffff  }
0x6a: {  	v0 =	vmul.f32 v31, v2;
	v13 =	vld.idx.msk [tilespmem:v13+s12+$0x0], $0xffff  }
0x6b: {  	v1 =	vmul.f32 v28, v12;
	v4 =	vld.idx.msk [tilespmem:v14+s12+$0x0], $0xffff  }
0x6c: {  	v2 =	vmul.f32 v15, v3;
	[tilespmem:s16+$0xFFFFFF80] =	vst v0;
	v0 =	vld.idx.msk [tilespmem:v16+s12+$0x0], $0xffff  }
0x6d: {  	v3 =	vmul.f32 v17, v5;
	[tilespmem:s16+$0xFFFFFF00] =	vst v1;
	v1 =	vld.idx.msk [tilespmem:v8+s12+$0x0], $0xffff  }
0x6e: {  	[tilespmem:s16+$0xFFFFFF90] =	vst v2;
	v2 =	vld.idx.msk [tilespmem:v9+s12+$0x0], $0xffff  }
0x6f: {  	[tilespmem:s16+$0xFFFFFFA0] =	vst v3;
	v3 =	vld.idx.msk [tilespmem:v18+s12+$0x0], $0xffff  }
0x70: {  	v5 =	vld [tilespmem:s15+$0xFFFFFFF0]  }
0x71: {  	v9 =	vld [tilespmem:s15+$0x0]  }
0x72: {  	v12 =	vld [tilespmem:s15+$0x10]  }
.Ltmp0:
0x73: {  	v8 =	vld [tilespmem:s15+$0x20];
	(pc) =	sbr.rel @p0 .LBB2_2-.Ltmp0, $4  }
0x74: {  	v6 =	vld [tilespmem:s15+$0x30]  }
0x75: {  	v14 =	vmul.f32 v5, v7;
	v7 =	vld [tilespmem:s15+$0x40]  }
0x76: {  	v11 =	vmul.f32 v9, v10;
	v5 =	vld [tilespmem:s15+$0x50]  }
0x77: {  	s18 =	sadd.s32 $0x100, s18;
	[tilespmem:s16+$0xFFFFFFB0] =	vst v14;
	v10 =	vmul.f32 v12, v13;
	v9 =	vld [tilespmem:s15+$0x60]  }
0x78: {  	[tilespmem:s16+$0x0] =	vst v11;
	v4 =	vmul.f32 v8, v4  }
0x79: {  	[tilespmem:s16+$0x10] =	vst v10;
	v0 =	vmul.f32 v6, v0  }
0x7a: {  	[tilespmem:s16+$0x20] =	vst v4;
	v1 =	vmul.f32 v7, v1  }
0x7b: {  	[tilespmem:s16+$0x30] =	vst v0;
	v0 =	vmul.f32 v5, v2  }
0x7c: {  	[tilespmem:s16+$0x80] =	vst v1;
	v1 =	vmul.f32 v9, v3  }
0x7d: {  	[tilespmem:s16+$0x90] =	vst v0  }
0x7e: {  	[tilespmem:s16+$0xA0] =	vst v1  }
0x7f: {  	[hbm4b:s6+s1] =	stream.linear.scatter [tilespmem:s13], [sflag:$0x1], $0x2000, $0x38;
	[tilespmem:$0x6000] =	vst v63  }
0x80: {  	_ =	swait.ge [sflag:s10], $0x2000  }
0x81: {  	[sflag:s10] =	ssyncset.done $0x0  }
0x82: {  	[sflag:s10] =	ssyncadd.s32 $0xFFFFE000  }
0x83: {  	[tilespmem:s12], [sflag:$0x1] =	stream.linear.gather [hbm4b:s7+s1], $0x2000, $0x38;
	[tilespmem:$0x6000] =	vst v63  }
0x84: {  	_ =	swait.ge [sflag:s10], $0x2000  }
0x85: {  	[sflag:s10] =	ssyncset.done $0x0  }
0x86: {  	s31 =	simm.s32 $0x80;
	[sflag:s10] =	ssyncadd.s32 $0xFFFFE000  }
0x87: {  	v0 =	vld [tilespmem:s31+$0x70]  }
0x88: {  	v1 =	vld [tilespmem:s31+$0xFFFFFF90]  }
0x89: {  	v2 =	vld [tilespmem:s31+$0xFFFFFFA0]  }
0x8a: {  	v3 =	vld [tilespmem:s31+$0xFFFFFFB0]  }
0x8b: {  	v4 =	vld [tilespmem:s31+$0xFFFFFFC0]  }
0x8c: {  	v5 =	vld [tilespmem:s31+$0xFFFFFFD0]  }
0x8d: {  	v7 =	vld [tilespmem:s31+$0xFFFFFFE0]  }
0x8e: {  	v8 =	vld [tilespmem:s31+$0xFFFFFFF0]  }
0x8f: {  	v9 =	vld [tilespmem:s31+$0x10]  }
0x90: {  	v10 =	vld [tilespmem:s31+$0x20]  }
0x91: {  	s15 =	simm.s32 $0x1080;
	v11 =	vld [tilespmem:s31+$0x30]  }
0x92: {  	v13 =	vld [tilespmem:s15+$0x70]  }
0x93: {  	v15 =	vld [tilespmem:s31+$0x40]  }
0x94: {  	v16 =	vld [tilespmem:s31+$0x50];
	v6 =	vshll.u32 v0, $0x1  }
0x95: {  	v20 =	vld [tilespmem:s31+$0xFFFFFF80];
	v0 =	vand.u32 $0x3F, v0;
	v14 =	vshll.u32 v2, $0x1;
	v6 =	vand.u32 $0xFFFFFF80, v6  }
0x96: {  	v19 =	vld [tilespmem:s31+$0x60];
	v17 =	vshll.u32 v3, $0x1;
	v2 =	vand.u32 $0x3F, v2;
	v0 =	vor.u32 v0, v6  }
0x97: {  	v22 =	vld [tilespmem:s15+$0xFFFFFF80];
	v18 =	vshll.u32 v4, $0x1;
	v3 =	vand.u32 $0x3F, v3;
	v21 =	vshll.u32 v5, $0x1  }
0x98: {  	v51 =	vld [tilespmem:s15+$0xFFFFFF90];
	v4 =	vand.u32 $0x3F, v4;
	v50 =	vshll.u32 v7, $0x1;
	v5 =	vand.u32 $0x3F, v5  }
0x99: {  	v52 =	vld [tilespmem:s15+$0xFFFFFFA0];
	v23 =	vshll.u32 v8, $0x1;
	v7 =	vand.u32 $0x3F, v7;
	v8 =	vand.u32 $0x3F, v8  }
0x9a: {  	v24 =	vld [tilespmem:s15+$0xFFFFFFB0];
	v26 =	vshll.u32 v20, $0x1;
	v20 =	vand.u32 $0x3F, v20;
	v14 =	vand.u32 $0xFFFFFF80, v14  }
0x9b: {  	v17 =	vand.u32 $0xFFFFFF80, v17;
	v2 =	vor.u32 v2, v14;
	v12 =	vld.idx.msk [tilespmem:v0+s12+$0x0], $0xffff;
	v0 =	vshll.u32 v1, $0x1  }
0x9c: {  	v6 =	vld [tilespmem:s31+$0x0];
	v3 =	vor.u32 v3, v17;
	v1 =	vand.u32 $0x3F, v1;
	v0 =	vand.u32 $0xFFFFFF80, v0  }
0x9d: {  	v27 =	vld [tilespmem:s15+$0xFFFFFFC0];
	v53 =	vshll.u32 v9, $0x1;
	v9 =	vand.u32 $0x3F, v9;
	v0 =	vor.u32 v1, v0  }
0x9e: {  	v55 =	vld [tilespmem:s15+$0xFFFFFFD0];
	v56 =	vshll.u32 v11, $0x1;
	v11 =	vand.u32 $0x3F, v11;
	v23 =	vand.u32 $0xFFFFFF80, v23  }
0x9f: {  	v57 =	vld [tilespmem:s15+$0xFFFFFFE0];
	v59 =	vshll.u32 v19, $0x1;
	v26 =	vand.u32 $0xFFFFFF80, v26;
	v8 =	vor.u32 v8, v23  }
0xa0: {  	v18 =	vand.u32 $0xFFFFFF80, v18;
	v20 =	vor.u32 v20, v26;
	v54 =	vld.idx.msk [tilespmem:v2+s12+$0x0], $0xffff;
	v1 =	vand.u32 $0xFFFFFF80, v21  }
0xa1: {  	v25 =	vshll.u32 v6, $0x1;
	v2 =	vand.u32 $0x3F, v6;
	v1 =	vor.u32 v5, v1;
	v5 =	vld.idx.msk [tilespmem:v3+s12+$0x0], $0xffff  }
0xa2: {  	v6 =	vand.u32 $0xFFFFFF80, v53;
	v21 =	vand.u32 $0xFFFFFF80, v50;
	v28 =	vld.idx.msk [tilespmem:v0+s12+$0x0], $0xffff;
	v0 =	vor.u32 v4, v18  }
0xa3: {  	v63 =	vld [tilespmem:s15+$0xFFFFFFF0];
	v6 =	vor.u32 v9, v6;
	v3 =	vshll.u32 v10, $0x1;
	v7 =	vor.u32 v7, v21  }
0xa4: {  	v60 =	vld.idx.msk [tilespmem:v8+s12+$0x0], $0xffff;
	v10 =	vand.u32 $0x3F, v10;
	v3 =	vand.u32 $0xFFFFFF80, v3;
	v4 =	vand.u32 $0xFFFFFF80, v25  }
0xa5: {  	v8 =	vand.u32 $0xFFFFFF80, v59;
	v9 =	vld.idx.msk [tilespmem:v20+s12+$0x0], $0xffff;
	v3 =	vor.u32 v10, v3;
	v2 =	vor.u32 v2, v4  }
0xa6: {  	v4 =	vshll.u32 v15, $0x1;
	v15 =	vand.u32 $0x3F, v15;
	v10 =	vld.idx.msk [tilespmem:v1+s12+$0x0], $0xffff;
	v1 =	vand.u32 $0x3F, v16  }
0xa7: {  	v16 =	vshll.u32 v16, $0x1;
	v5 =	vmul.f32 v24, v5;
	v58 =	vld.idx.msk [tilespmem:v0+s12+$0x0], $0xffff;
	v0 =	vand.u32 $0xFFFFFF80, v56  }
0xa8: {  	v7 =	vld.idx.msk [tilespmem:v7+s12+$0x0], $0xffff;
	v4 =	vand.u32 $0xFFFFFF80, v4;
	v0 =	vor.u32 v11, v0;
	v11 =	vand.u32 $0xFFFFFF80, v16  }
0xa9: {  	s16 =	simm.s32 $0x4100;
	v62 =	vld.idx.msk [tilespmem:v6+s12+$0x0], $0xffff;
	v15 =	vor.u32 v15, v4;
	v4 =	vand.u32 $0x3F, v19;
	v11 =	vor.u32 v1, v11  }
0xaa: {  	[tilespmem:s16+$0xFFFFFF30] =	vst v5;
	v5 =	vmul.f32 v22, v9;
	v9 =	vld [tilespmem:s15+$0x10];
	v8 =	vor.u32 v4, v8  }
0xab: {  	v4 =	vld.idx.msk [tilespmem:v3+s12+$0x0], $0xffff  }
0xac: {  	v61 =	vld.idx.msk [tilespmem:v2+s12+$0x0], $0xffff  }
0xad: {  	v3 =	vmul.f32 v13, v12;
	[tilespmem:s16+$0xFFFFFF00] =	vst v5;
	v5 =	vmul.f32 v57, v7;
	v7 =	vld [tilespmem:s15+$0x40]  }
0xae: {  	v2 =	vld.idx.msk [tilespmem:v11+s12+$0x0], $0xffff;
	v11 =	vmul.f32 v52, v54  }
0xaf: {  	v6 =	vmul.f32 v51, v28;
	[tilespmem:s16+$0xB0] =	vst v3;
	v3 =	vld.idx.msk [tilespmem:v8+s12+$0x0], $0xffff  }
0xb0: {  	[tilespmem:s16+$0xFFFFFF20] =	vst v11;
	v11 =	vld [tilespmem:s15+$0x0]  }
0xb1: {  	[tilespmem:s16+$0xFFFFFF10] =	vst v6;
	v8 =	vld [tilespmem:s15+$0x20];
	v6 =	vmul.f32 v27, v58  }
0xb2: {  	v10 =	vmul.f32 v55, v10;
	v0 =	vld.idx.msk [tilespmem:v0+s12+$0x0], $0xffff  }
0xb3: {  	[tilespmem:s16+$0xFFFFFF80] =	vst v6;
	v6 =	vld [tilespmem:s15+$0x30]  }
0xb4: {  	v1 =	vld.idx.msk [tilespmem:v15+s12+$0x0], $0xffff;
	[tilespmem:s16+$0xFFFFFF90] =	vst v10;
	v10 =	vmul.f32 v63, v60  }
0xb5: {  	[tilespmem:s16+$0xFFFFFFA0] =	vst v5;
	v5 =	vld [tilespmem:s15+$0x50];
	v11 =	vmul.f32 v11, v61  }
0xb6: {  	s17 =	simm.s32 $0x0;
	s18 =	simm.s32 $0x180;
	[tilespmem:s16+$0xFFFFFFB0] =	vst v10;
	v10 =	vmul.f32 v9, v62;
	v9 =	vld [tilespmem:s15+$0x60]  }
.LBB2_4:
0xb7: {  	v12 =	vld [tilespmem:s18+$0x70];
	s17 =	sadd.s32 $0x10, s17;
	[tilespmem:s16+$0x0] =	vst v11;
	v4 =	vmul.f32 v8, v4  }
0xb8: {  	v8 =	vld [tilespmem:s18+$0xFFFFFF90];
	p0 =	slt.u32 s17, $0xF0;
	[tilespmem:s16+$0x10] =	vst v10;
	v0 =	vmul.f32 v6, v0  }
0xb9: {  	v6 =	vld [tilespmem:s18+$0xFFFFFFA0];
	[tilespmem:s16+$0x20] =	vst v4;
	v1 =	vmul.f32 v7, v1  }
0xba: {  	v4 =	vld [tilespmem:s18+$0xFFFFFFB0];
	[tilespmem:s16+$0x30] =	vst v0;
	v0 =	vmul.f32 v5, v2  }
0xbb: {  	v2 =	vld [tilespmem:s18+$0xFFFFFFC0];
	[tilespmem:s16+$0x80] =	vst v1;
	v1 =	vmul.f32 v9, v3  }
0xbc: {  	v3 =	vld [tilespmem:s18+$0xFFFFFFD0];
	v5 =	vshll.u32 v12, $0x1;
	[tilespmem:s16+$0x90] =	vst v0  }
0xbd: {  	v9 =	vand.u32 $0x3F, v12;
	v0 =	vshll.u32 v8, $0x1;
	v7 =	vld [tilespmem:s18+$0xFFFFFFE0];
	v5 =	vand.u32 $0xFFFFFF80, v5;
	[tilespmem:s16+$0xA0] =	vst v1  }
0xbe: {  	v0 =	vand.u32 $0xFFFFFF80, v0;
	v1 =	vshll.u32 v6, $0x1;
	v10 =	vld [tilespmem:s18+$0xFFFFFFF0];
	v5 =	vor.u32 v9, v5  }
0xbf: {  	v8 =	vand.u32 $0x3F, v8;
	v1 =	vand.u32 $0xFFFFFF80, v1;
	v9 =	vshll.u32 v4, $0x1;
	v11 =	vld [tilespmem:s18+$0x0]  }
0xc0: {  	v6 =	vand.u32 $0x3F, v6;
	v9 =	vand.u32 $0xFFFFFF80, v9;
	v12 =	vshll.u32 v2, $0x1;
	v13 =	vld [tilespmem:s18+$0x10]  }
0xc1: {  	v4 =	vand.u32 $0x3F, v4;
	v12 =	vand.u32 $0xFFFFFF80, v12;
	v14 =	vshll.u32 v3, $0x1;
	v15 =	vld [tilespmem:s18+$0x20]  }
0xc2: {  	v2 =	vand.u32 $0x3F, v2;
	v14 =	vand.u32 $0xFFFFFF80, v14;
	v16 =	vshll.u32 v7, $0x1;
	v17 =	vld [tilespmem:s18+$0x30]  }
0xc3: {  	s15 =	sadd.s32 $0x100, s15;
	v3 =	vand.u32 $0x3F, v3;
	v16 =	vand.u32 $0xFFFFFF80, v16;
	v18 =	vshll.u32 v10, $0x1;
	v5 =	vld.idx.msk [tilespmem:v5+s12+$0x0], $0xffff  }
0xc4: {  	v7 =	vand.u32 $0x3F, v7;
	v18 =	vand.u32 $0xFFFFFF80, v18;
	v19 =	vshll.u32 v11, $0x1;
	v20 =	vld [tilespmem:s15+$0x70]  }
0xc5: {  	v10 =	vand.u32 $0x3F, v10;
	v19 =	vand.u32 $0xFFFFFF80, v19;
	v21 =	vshll.u32 v13, $0x1;
	v22 =	vld [tilespmem:s18+$0x40]  }
0xc6: {  	v11 =	vand.u32 $0x3F, v11;
	v21 =	vand.u32 $0xFFFFFF80, v21;
	v23 =	vshll.u32 v15, $0x1;
	v24 =	vld [tilespmem:s18+$0x50]  }
0xc7: {  	v13 =	vand.u32 $0x3F, v13;
	v23 =	vand.u32 $0xFFFFFF80, v23;
	v25 =	vshll.u32 v17, $0x1;
	v26 =	vld [tilespmem:s18+$0x60]  }
0xc8: {  	v15 =	vand.u32 $0x3F, v15;
	v17 =	vand.u32 $0x3F, v17;
	v27 =	vld [tilespmem:s18+$0xFFFFFF80];
	v25 =	vand.u32 $0xFFFFFF80, v25  }
0xc9: {  	v0 =	vor.u32 v8, v0;
	v1 =	vor.u32 v6, v1;
	v28 =	vld [tilespmem:s15+$0xFFFFFF80];
	v5 =	vmul.f32 v20, v5  }
0xca: {  	s16 =	sadd.s32 $0x200, s16;
	v4 =	vor.u32 v4, v9;
	v6 =	vld [tilespmem:s15+$0xFFFFFF90];
	v8 =	vand.u32 $0x3F, v22;
	v9 =	vshll.u32 v22, $0x1  }
0xcb: {  	v20 =	vld [tilespmem:s15+$0xFFFFFFA0];
	v9 =	vand.u32 $0xFFFFFF80, v9;
	v22 =	vand.u32 $0x3F, v24;
	v24 =	vshll.u32 v24, $0x1;
	[tilespmem:s16+$0xB0] =	vst v5  }
0xcc: {  	v5 =	vld [tilespmem:s15+$0xFFFFFFB0];
	v24 =	vand.u32 $0xFFFFFF80, v24;
	v29 =	vand.u32 $0x3F, v26;
	v26 =	vshll.u32 v26, $0x1  }
0xcd: {  	v30 =	vand.u32 $0x3F, v27;
	v27 =	vshll.u32 v27, $0x1;
	v31 =	vld [tilespmem:s15+$0xFFFFFFC0];
	v26 =	vand.u32 $0xFFFFFF80, v26  }
0xce: {  	v2 =	vor.u32 v2, v12;
	v3 =	vor.u32 v3, v14;
	v27 =	vand.u32 $0xFFFFFF80, v27;
	v0 =	vld.idx.msk [tilespmem:v0+s12+$0x0], $0xffff  }
0xcf: {  	v7 =	vor.u32 v7, v16;
	v10 =	vor.u32 v10, v18;
	v12 =	vor.u32 v30, v27;
	v1 =	vld.idx.msk [tilespmem:v1+s12+$0x0], $0xffff  }
0xd0: {  	v11 =	vor.u32 v11, v19;
	v13 =	vor.u32 v13, v21;
	v14 =	vor.u32 v15, v23;
	v4 =	vld.idx.msk [tilespmem:v4+s12+$0x0], $0xffff  }
0xd1: {  	v16 =	vor.u32 v17, v25;
	v8 =	vor.u32 v8, v9;
	v9 =	vor.u32 v22, v24;
	v15 =	vld [tilespmem:s15+$0xFFFFFFD0]  }
0xd2: {  	v18 =	vor.u32 v29, v26;
	v17 =	vld [tilespmem:s15+$0xFFFFFFE0]  }
0xd3: {  	v2 =	vld.idx.msk [tilespmem:v2+s12+$0x0], $0xffff  }
0xd4: {  	v0 =	vmul.f32 v6, v0;
	v12 =	vld.idx.msk [tilespmem:v12+s12+$0x0], $0xffff  }
0xd5: {  	v1 =	vmul.f32 v20, v1;
	v3 =	vld.idx.msk [tilespmem:v3+s12+$0x0], $0xffff  }
0xd6: {  	[tilespmem:s16+$0xFFFFFF10] =	vst v0;
	v0 =	vmul.f32 v5, v4;
	v5 =	vld.idx.msk [tilespmem:v7+s12+$0x0], $0xffff  }
0xd7: {  	[tilespmem:s16+$0xFFFFFF20] =	vst v1;
	v7 =	vld.idx.msk [tilespmem:v10+s12+$0x0], $0xffff  }
0xd8: {  	[tilespmem:s16+$0xFFFFFF30] =	vst v0;
	v10 =	vld.idx.msk [tilespmem:v11+s12+$0x0], $0xffff  }
0xd9: {  	v0 =	vmul.f32 v31, v2;
	v13 =	vld.idx.msk [tilespmem:v13+s12+$0x0], $0xffff  }
0xda: {  	v1 =	vmul.f32 v28, v12;
	v4 =	vld.idx.msk [tilespmem:v14+s12+$0x0], $0xffff  }
0xdb: {  	v2 =	vmul.f32 v15, v3;
	[tilespmem:s16+$0xFFFFFF80] =	vst v0;
	v0 =	vld.idx.msk [tilespmem:v16+s12+$0x0], $0xffff  }
0xdc: {  	v3 =	vmul.f32 v17, v5;
	[tilespmem:s16+$0xFFFFFF00] =	vst v1;
	v1 =	vld.idx.msk [tilespmem:v8+s12+$0x0], $0xffff  }
0xdd: {  	[tilespmem:s16+$0xFFFFFF90] =	vst v2;
	v2 =	vld.idx.msk [tilespmem:v9+s12+$0x0], $0xffff  }
0xde: {  	[tilespmem:s16+$0xFFFFFFA0] =	vst v3;
	v3 =	vld.idx.msk [tilespmem:v18+s12+$0x0], $0xffff  }
0xdf: {  	v5 =	vld [tilespmem:s15+$0xFFFFFFF0]  }
0xe0: {  	v9 =	vld [tilespmem:s15+$0x0]  }
0xe1: {  	v12 =	vld [tilespmem:s15+$0x10]  }
.Ltmp1:
0xe2: {  	v8 =	vld [tilespmem:s15+$0x20];
	(pc) =	sbr.rel @p0 .LBB2_4-.Ltmp1, $4  }
0xe3: {  	v6 =	vld [tilespmem:s15+$0x30]  }
0xe4: {  	v14 =	vmul.f32 v5, v7;
	v7 =	vld [tilespmem:s15+$0x40]  }
0xe5: {  	v11 =	vmul.f32 v9, v10;
	v5 =	vld [tilespmem:s15+$0x50]  }
0xe6: {  	s18 =	sadd.s32 $0x100, s18;
	[tilespmem:s16+$0xFFFFFFB0] =	vst v14;
	v10 =	vmul.f32 v12, v13;
	v9 =	vld [tilespmem:s15+$0x60]  }
0xe7: {  	[tilespmem:s16+$0x0] =	vst v11;
	v4 =	vmul.f32 v8, v4  }
0xe8: {  	[tilespmem:s16+$0x10] =	vst v10;
	v0 =	vmul.f32 v6, v0  }
0xe9: {  	[tilespmem:s16+$0x20] =	vst v4;
	v1 =	vmul.f32 v7, v1  }
0xea: {  	[tilespmem:s16+$0x30] =	vst v0;
	v62 =	vmul.f32 v5, v2  }
0xeb: {  	s14 =	sadd.s32 $0x1, s14;
	[tilespmem:s16+$0x80] =	vst v1;
	v63 =	vmul.f32 v9, v3  }
0xec: {  	p0 =	sne.s32 s14, s9;
	[tilespmem:s16+$0x90] =	vst v62  }
.Ltmp2:
0xed: {  	[tilespmem:s16+$0xA0] =	vst v63;
	(pc) =	sbr.rel @p0 .LBB2_1-.Ltmp2, $4  }
0xee: {  	[hbm4b:s8+s1] =	stream.linear.scatter [tilespmem:s13], [sflag:$0x1], $0x2000, $0x38;
	[tilespmem:$0x6000] =	vst v63  }
0xef: {  	_ =	swait.ge [sflag:s10], $0x2000  }
0xf0: {  	[sflag:s10] =	ssyncset.done $0x0  }
0xf1: {  	[sflag:s10] =	ssyncadd.s32 $0xFFFFE000  }
0xf2: {  	_ =	sfence.sel $0x180000  }
0xf3: {  	[bflag:$0x0] =	sbarrier.arrive $0xFFFF  }
0xf4: {  	p0 =	sne.s32 s2, $0x0;
	_ =	strace $0x90000047  }
0xf5: {  	s0 =	sadd.s32 @!p0 $0x100000, s0;
	[bflag:$0x2] =	sbarrier.arrive $0xFFFF  }
0xf6: {  	[sflag:s0] =	ssyncadd.tile.s32 @!p0 $0x1;
	_ =	shalt  }
.Lfunc_end2:
_tile_overlayer_lowered:
.L_overlay_start_2:
0xf7: {  	(tag) =	ssettag $0x2  }
0xf8: {  	s0 =	rddreg [dreg:$0x0];
	s2 =	stileid.u32  }
0xf9: {  	s1 =	rddreg [dreg:$0x1];
	p0 =	sne.s32 s2, $0x0  }
0xfa: {  	s3 =	rddreg [dreg:$0x2];
	[bflag:$0x3] =	sbarrier.arrive $0xFFFF;
	s2 =	simm.s32 @!p0 $0x1C01  }
0xfb: {  	[timem:s3], [sflag:s2] =	dma.local @!p0 [hbm:s0], s1  }
0xfc: {  	s0 =	simm.s32 @!p0 $0x1  }
0xfd: {  	_ =	swait.ge @!p0 [sflag:s0], s1  }
0xfe: {  	s1 =	ssub.s32 @!p0 $0x0, s1;
	[sflag:s0] =	ssyncset.done @!p0 $0x0  }
0xff: {  	[sflag:s0] =	ssyncadd.s32 @!p0 s1  }
0x100: {  	[bflag:$0x3] =	sbarrier.arrive $0xFFFF  }
0x101: {  	_ =	shalt  }

</sc_bundles>
